<compile_context>
chip_gen: v7x
topology: tpu7x:2x2x1
jax: 0.10.2.dev20260603
libtpu: 0.0.44.dev20260713+nightly
codegen_flags: <defaults>
</compile_context>

<pallas_src>
import functools

import jax
import jax.numpy as jnp
import numpy as np
from jax import lax
from jax.experimental import pallas as pl
from jax.experimental.pallas import tpu as pltpu
from jax.experimental.pallas import tpu_sc as plsc

EPS = 1e-6

NUM_CORES = 2
NUM_SUBCORES = 16
NUM_WORKERS = NUM_CORES * NUM_SUBCORES

B_TOTAL = 4096 * 200
D = 32
CHUNK = 3200


V = 1000000
BQ = 8192
NQ = 31
V4P = NQ * BQ
VP = 4 * V4P
_LAST_CBLK = (V - 1) // BQ


def _xp_body(a_ref, b_ref, c_ref, d_ref, out_ref):
    out_ref[:, 0:32] = a_ref[...].T
    out_ref[:, 32:64] = b_ref[...].T
    out_ref[:, 64:96] = c_ref[...].T
    out_ref[:, 96:128] = d_ref[...].T


def _pack_table(W):
    WT = W.T
    return pl.pallas_call(
        _xp_body,
        grid=(NQ,),
        in_specs=[
            pl.BlockSpec(
                (32, BQ),
                lambda i, r=r: (0, jnp.minimum(r * NQ + i, _LAST_CBLK)))
            for r in range(4)
        ],
        out_specs=pl.BlockSpec((BQ, 128), lambda i: (i, 0)),
        out_shape=jax.ShapeDtypeStruct((V4P, 128), jnp.float32),
    )(WT, WT, WT, WT)


def _sc_gather(idx, table, nb):
    b_per_w = nb // NUM_WORKERS
    n_chunks = b_per_w // CHUNK
    assert b_per_w % CHUNK == 0
    mesh = plsc.VectorSubcoreMesh(core_axis_name="c", subcore_axis_name="s")

    @functools.partial(
        pl.kernel,
        mesh=mesh,
        out_type=jax.ShapeDtypeStruct((nb, D), jnp.float32),
        compiler_params=pltpu.CompilerParams(use_tc_tiling_on_sc=False),
        scratch_types=[
            pltpu.VMEM((CHUNK,), jnp.int32),
            pltpu.VMEM((CHUNK, D), jnp.float32),
            pltpu.SemaphoreType.DMA,
        ],
    )
    def gather_kernel(idx_hbm, table_hbm, out_hbm, idx_v, rows_v, sem):
        wid = lax.axis_index("s") * NUM_CORES + lax.axis_index("c")
        base = wid * b_per_w

        def body(i, carry):
            off = base + i * CHUNK
            pltpu.sync_copy(idx_hbm.at[pl.ds(off, CHUNK)], idx_v)
            pltpu.async_copy(table_hbm.at[idx_v], rows_v, sem).wait()
            pltpu.sync_copy(rows_v, out_hbm.at[pl.ds(off, CHUNK)])
            return carry

        lax.fori_loop(0, n_chunks, body, 0)

    return gather_kernel(idx, table)


PACK = 128 // D
N_DENSE = B_TOTAL // PACK
BLK = 6400


def _tc_body(rows_ref, ones_ref, out_ref):
    x = rows_ref[...]
    s = jax.lax.dot_general(
        x * x, ones_ref[...], (((1,), (0,)), ((), ())),
        preferred_element_type=jnp.float32,
    )
    x0 = jnp.sqrt(1.0 + s)
    z = jnp.maximum(x0, 1.0 + EPS)
    m = jnp.maximum(x0 * x0 - 1.0, EPS)
    r = jax.lax.rsqrt(m)
    alpha = jnp.log(z + m * r)
    out_ref[...] = (alpha * r) * x


def _tc_project(rows_dense, nd):
    ones_bd = jnp.asarray(
        np.kron(np.eye(PACK, dtype=np.float32), np.ones((D, D), np.float32)))
    grid = (nd // BLK,)
    return pl.pallas_call(
        _tc_body,
        grid=grid,
        in_specs=[
            pl.BlockSpec((BLK, 128), lambda i: (i, 0)),
            pl.BlockSpec((128, 128), lambda i: (0, 0)),
        ],
        out_specs=pl.BlockSpec((BLK, 128), lambda i: (i, 0)),
        out_shape=jax.ShapeDtypeStruct((nd, 128), jnp.float32),
    )(rows_dense, ones_bd)


N_SPLIT = 8
S_PER = 200 // N_SPLIT


def kernel(input_ids, W):
    table = _pack_table(W).reshape(VP, D)
    outs = []
    for h in range(N_SPLIT):
        ih = input_ids[:, h * S_PER:(h + 1) * S_PER]
        idx = ih.reshape(-1).astype(jnp.uint32)
        j = ((idx % V4P) * 4 + idx // V4P).astype(jnp.int32)
        nb = 4096 * S_PER
        rows = _sc_gather(j, table, nb)
        out_h = _tc_project(rows.reshape(nb * D // 128, 128), nb * D // 128)
        outs.append(out_h.reshape(4096, S_PER, D))
    return jnp.concatenate(outs, axis=1)

# --- scband reference (transcript-rebuilt; emitter-appended) ---
"""Pipeline reference for scband-lorentz-embedding-40286793236976 (READ-ONLY COPY).

The authoritative reference and input builder live on the scoring server;
editing this copy changes nothing except your own understanding.
"""

import jax, jax.numpy as jnp
import numpy as np

EPS = 1e-6


def setup_inputs(seed: int = 0) -> dict:
    key = jax.random.key(seed)
    k1, k2 = jax.random.split(key)
    input_ids = jax.random.randint(k1, (4096, 200), 0, 1000000)
    W = jax.random.normal(k2, (1000000, 32), dtype=jnp.float32) * 0.005
    return {"input_ids": input_ids, "W": W}


def reference(input_ids, W):
    # embedding lookup (gather)
    space = jnp.take(W, input_ids, axis=0)
    # project to hyperboloid
    sq_norm = jnp.sum(space * space, axis=-1, keepdims=True)
    x0 = jnp.sqrt(jnp.clip(1.0 + sq_norm, EPS))
    hyp = jnp.concatenate([x0, space], axis=-1)
    # log map at origin
    x0h = hyp[..., :1]
    xs = hyp[..., 1:]
    alpha = jnp.arccosh(jnp.clip(x0h, 1.0 + EPS))
    denom = jnp.sqrt(jnp.clip(x0h * x0h - 1.0, EPS))
    coeff = jnp.where(denom < 1e-4, jnp.ones_like(denom), alpha / denom)
    return coeff * xs

if __name__ == "__main__":
    import jax
    _d = setup_inputs()
    print(jax.jit(kernel)(*tuple(_d.values())))

</pallas_src>

<mosaic_0001>
#map = affine_map<(d0, d1) -> (0)>
#map1 = affine_map<(d0, d1) -> (0, 0)>
module attributes {stable_mosaic.version = 14 : i64} {
  func.func @gather_kernel(%arg0: i32, %arg1: i32, %arg2: memref<102400xi32, #tpu.memory_space<hbm>>, %arg3: memref<1015808x32xf32, #tpu.memory_space<hbm>>, %arg4: memref<102400x32xf32, #tpu.memory_space<hbm>>, %arg5: memref<3200xi32, #tpu.memory_space<vmem>>, %arg6: memref<3200x32xf32, #tpu.memory_space<vmem>>, %arg7: memref<!tpu.dma_semaphore, #tpu.memory_space<semaphore_mem>>) attributes {dimension_semantics = [#tpu.dimension_semantics<core_parallel>, #tpu.dimension_semantics<subcore_parallel>], iteration_bounds = array<i64: 2, 16>, scalar_prefetch = 0 : i64, scratch_operands = 3 : i64, tpu.core_type = #tpu.core_type<sc_vector_subcore>, window_params = [{transform_indices = #map}, {transform_indices = #map1}, {transform_indices = #map1}]} {
    %mul3A = arith.constant 2 : i32
    %mul3A_0 = arith.muli %arg1, %mul3A : i32
    %add3A = arith.addi %mul3A_0, %arg0 : i32
    %mul3A_1 = arith.constant 3200 : i32
    %mul3A_2 = arith.muli %add3A, %mul3A_1 : i32
    %scan3A = arith.constant 0 : i32
    %scan3A_3 = arith.constant 0 : i32
    %mul3A_4 = arith.constant 3200 : i32
    %mul3A_5 = arith.muli %scan3A_3, %mul3A_4 : i32
    %add3A_6 = arith.addi %mul3A_2, %mul3A_5 : i32
    "tpu.region"() ({
      %run_scoped3A = tpu.sem_alloc : memref<!tpu.dma_semaphore, #tpu.memory_space<semaphore_mem>>
      %dma_start3A_12 = tpu.memref_slice %arg2[%add3A_6] : memref<102400xi32, #tpu.memory_space<hbm>> -> memref<3200xi32, #tpu.memory_space<hbm>>
      %dma_start3A_13 = tpu.memref_slice %arg2[%add3A_6] : memref<102400xi32, #tpu.memory_space<hbm>> -> memref<3200xi32, #tpu.memory_space<hbm>>
      tpu.enqueue_dma source(%dma_start3A_13 : memref<3200xi32, #tpu.memory_space<hbm>>) target(%arg5 : memref<3200xi32, #tpu.memory_space<vmem>>) target_semaphore(%run_scoped3A : memref<!tpu.dma_semaphore, #tpu.memory_space<semaphore_mem>>)
      %dma_wait3A_14 = tpu.memref_slice %arg2[%add3A_6] : memref<102400xi32, #tpu.memory_space<hbm>> -> memref<3200xi32, #tpu.memory_space<hbm>>
      %dma_wait3A_15 = tpu.memref_slice %arg2[%add3A_6] : memref<102400xi32, #tpu.memory_space<hbm>> -> memref<3200xi32, #tpu.memory_space<hbm>>
      tpu.wait_dma2 semaphore(%run_scoped3A : memref<!tpu.dma_semaphore, #tpu.memory_space<semaphore_mem>>) src(%dma_wait3A_15 : memref<3200xi32, #tpu.memory_space<hbm>>) dst(%arg5 : memref<3200xi32, #tpu.memory_space<vmem>>)
      tpu.yield
    }) : () -> ()
    %dma_start3A = arith.constant 0 : i32
    %dma_start3A_7 = arith.constant 0 : i32
    %dma_start3A_8 = tpu.memref_slice %arg3[%dma_start3A, %dma_start3A_7] : memref<1015808x32xf32, #tpu.memory_space<hbm>> -> memref<1015808x32xf32, #tpu.memory_space<hbm>>
    tpu.enqueue_indirect_dma source(%dma_start3A_8 : memref<1015808x32xf32, #tpu.memory_space<hbm>>) target(%arg6 : memref<3200x32xf32, #tpu.memory_space<vmem>>) offsets(%arg5 : memref<3200xi32, #tpu.memory_space<vmem>>) semaphore(%arg7 : memref<!tpu.dma_semaphore, #tpu.memory_space<semaphore_mem>>)
    %dma_wait3A = arith.constant 0 : i32
    %dma_wait3A_9 = arith.constant 0 : i32
    %dma_wait3A_10 = tpu.memref_slice %arg3[%dma_wait3A, %dma_wait3A_9] : memref<1015808x32xf32, #tpu.memory_space<hbm>> -> memref<1015808x32xf32, #tpu.memory_space<hbm>>
    tpu.wait_indirect_dma semaphore(%arg7 : memref<!tpu.dma_semaphore, #tpu.memory_space<semaphore_mem>>) src(%dma_wait3A_10 : memref<1015808x32xf32, #tpu.memory_space<hbm>>) dst(%arg6 : memref<3200x32xf32, #tpu.memory_space<vmem>>)
    "tpu.region"() ({
      %run_scoped3A = tpu.sem_alloc : memref<!tpu.dma_semaphore, #tpu.memory_space<semaphore_mem>>
      %dma_start3A_12 = arith.constant 0 : i32
      %dma_start3A_13 = tpu.memref_slice %arg4[%add3A_6, %dma_start3A_12] : memref<102400x32xf32, #tpu.memory_space<hbm>> -> memref<3200x32xf32, #tpu.memory_space<hbm>>
      %dma_start3A_14 = arith.constant 0 : i32
      %dma_start3A_15 = tpu.memref_slice %arg4[%add3A_6, %dma_start3A_14] : memref<102400x32xf32, #tpu.memory_space<hbm>> -> memref<3200x32xf32, #tpu.memory_space<hbm>>
      tpu.enqueue_dma source(%arg6 : memref<3200x32xf32, #tpu.memory_space<vmem>>) target(%dma_start3A_15 : memref<3200x32xf32, #tpu.memory_space<hbm>>) target_semaphore(%run_scoped3A : memref<!tpu.dma_semaphore, #tpu.memory_space<semaphore_mem>>)
      %dma_wait3A_16 = arith.constant 0 : i32
      %dma_wait3A_17 = tpu.memref_slice %arg4[%add3A_6, %dma_wait3A_16] : memref<102400x32xf32, #tpu.memory_space<hbm>> -> memref<3200x32xf32, #tpu.memory_space<hbm>>
      %dma_wait3A_18 = arith.constant 0 : i32
      %dma_wait3A_19 = tpu.memref_slice %arg4[%add3A_6, %dma_wait3A_18] : memref<102400x32xf32, #tpu.memory_space<hbm>> -> memref<3200x32xf32, #tpu.memory_space<hbm>>
      tpu.wait_dma2 semaphore(%run_scoped3A : memref<!tpu.dma_semaphore, #tpu.memory_space<semaphore_mem>>) src(%arg6 : memref<3200x32xf32, #tpu.memory_space<vmem>>) dst(%dma_wait3A_19 : memref<3200x32xf32, #tpu.memory_space<hbm>>)
      tpu.yield
    }) : () -> ()
    %scan3A_11 = arith.constant 1 : i32
    return
  }
}

#map = affine_map<(d0, d1) -> (0)>
#map1 = affine_map<(d0, d1) -> (0, 0)>
module attributes {stable_mosaic.version = 14 : i64} {
  func.func @gather_kernel(%arg0: i32, %arg1: i32, %arg2: memref<102400xi32, #tpu.memory_space<hbm>>, %arg3: memref<1015808x32xf32, #tpu.memory_space<hbm>>, %arg4: memref<102400x32xf32, #tpu.memory_space<hbm>>, %arg5: memref<3200xi32, #tpu.memory_space<vmem>>, %arg6: memref<3200x32xf32, #tpu.memory_space<vmem>>, %arg7: memref<!tpu.dma_semaphore, #tpu.memory_space<semaphore_mem>>) attributes {dimension_semantics = [#tpu.dimension_semantics<core_parallel>, #tpu.dimension_semantics<subcore_parallel>], iteration_bounds = array<i64: 2, 16>, scalar_prefetch = 0 : i64, scratch_operands = 3 : i64, tpu.core_type = #tpu.core_type<sc_vector_subcore>, window_params = [{transform_indices = #map}, {transform_indices = #map1}, {transform_indices = #map1}]} {
    %mul3A = arith.constant 2 : i32
    %mul3A_0 = arith.muli %arg1, %mul3A : i32
    %add3A = arith.addi %mul3A_0, %arg0 : i32
    %mul3A_1 = arith.constant 3200 : i32
    %mul3A_2 = arith.muli %add3A, %mul3A_1 : i32
    %scan3A = arith.constant 0 : i32
    %scan3A_3 = arith.constant 0 : i32
    %mul3A_4 = arith.constant 3200 : i32
    %mul3A_5 = arith.muli %scan3A_3, %mul3A_4 : i32
    %add3A_6 = arith.addi %mul3A_2, %mul3A_5 : i32
    "tpu.region"() ({
      %run_scoped3A = tpu.sem_alloc : memref<!tpu.dma_semaphore, #tpu.memory_space<semaphore_mem>>
      %dma_start3A_12 = tpu.memref_slice %arg2[%add3A_6] : memref<102400xi32, #tpu.memory_space<hbm>> -> memref<3200xi32, #tpu.memory_space<hbm>>
      %dma_start3A_13 = tpu.memref_slice %arg2[%add3A_6] : memref<102400xi32, #tpu.memory_space<hbm>> -> memref<3200xi32, #tpu.memory_space<hbm>>
      tpu.enqueue_dma source(%dma_start3A_13 : memref<3200xi32, #tpu.memory_space<hbm>>) target(%arg5 : memref<3200xi32, #tpu.memory_space<vmem>>) target_semaphore(%run_scoped3A : memref<!tpu.dma_semaphore, #tpu.memory_space<semaphore_mem>>)
      %dma_wait3A_14 = tpu.memref_slice %arg2[%add3A_6] : memref<102400xi32, #tpu.memory_space<hbm>> -> memref<3200xi32, #tpu.memory_space<hbm>>
      %dma_wait3A_15 = tpu.memref_slice %arg2[%add3A_6] : memref<102400xi32, #tpu.memory_space<hbm>> -> memref<3200xi32, #tpu.memory_space<hbm>>
      tpu.wait_dma2 semaphore(%run_scoped3A : memref<!tpu.dma_semaphore, #tpu.memory_space<semaphore_mem>>) src(%dma_wait3A_15 : memref<3200xi32, #tpu.memory_space<hbm>>) dst(%arg5 : memref<3200xi32, #tpu.memory_space<vmem>>)
      tpu.yield
    }) : () -> ()
    %dma_start3A = arith.constant 0 : i32
    %dma_start3A_7 = arith.constant 0 : i32
    %dma_start3A_8 = tpu.memref_slice %arg3[%dma_start3A, %dma_start3A_7] : memref<1015808x32xf32, #tpu.memory_space<hbm>> -> memref<1015808x32xf32, #tpu.memory_space<hbm>>
    tpu.enqueue_indirect_dma source(%dma_start3A_8 : memref<1015808x32xf32, #tpu.memory_space<hbm>>) target(%arg6 : memref<3200x32xf32, #tpu.memory_space<vmem>>) offsets(%arg5 : memref<3200xi32, #tpu.memory_space<vmem>>) semaphore(%arg7 : memref<!tpu.dma_semaphore, #tpu.memory_space<semaphore_mem>>)
    %dma_wait3A = arith.constant 0 : i32
    %dma_wait3A_9 = arith.constant 0 : i32
    %dma_wait3A_10 = tpu.memref_slice %arg3[%dma_wait3A, %dma_wait3A_9] : memref<1015808x32xf32, #tpu.memory_space<hbm>> -> memref<1015808x32xf32, #tpu.memory_space<hbm>>
    tpu.wait_indirect_dma semaphore(%arg7 : memref<!tpu.dma_semaphore, #tpu.memory_space<semaphore_mem>>) src(%dma_wait3A_10 : memref<1015808x32xf32, #tpu.memory_space<hbm>>) dst(%arg6 : memref<3200x32xf32, #tpu.memory_space<vmem>>)
    "tpu.region"() ({
      %run_scoped3A = tpu.sem_alloc : memref<!tpu.dma_semaphore, #tpu.memory_space<semaphore_mem>>
      %dma_start3A_12 = arith.constant 0 : i32
      %dma_start3A_13 = tpu.memref_slice %arg4[%add3A_6, %dma_start3A_12] : memref<102400x32xf32, #tpu.memory_space<hbm>> -> memref<3200x32xf32, #tpu.memory_space<hbm>>
      %dma_start3A_14 = arith.constant 0 : i32
      %dma_start3A_15 = tpu.memref_slice %arg4[%add3A_6, %dma_start3A_14] : memref<102400x32xf32, #tpu.memory_space<hbm>> -> memref<3200x32xf32, #tpu.memory_space<hbm>>
      tpu.enqueue_dma source(%arg6 : memref<3200x32xf32, #tpu.memory_space<vmem>>) target(%dma_start3A_15 : memref<3200x32xf32, #tpu.memory_space<hbm>>) target_semaphore(%run_scoped3A : memref<!tpu.dma_semaphore, #tpu.memory_space<semaphore_mem>>)
      %dma_wait3A_16 = arith.constant 0 : i32
      %dma_wait3A_17 = tpu.memref_slice %arg4[%add3A_6, %dma_wait3A_16] : memref<102400x32xf32, #tpu.memory_space<hbm>> -> memref<3200x32xf32, #tpu.memory_space<hbm>>
      %dma_wait3A_18 = arith.constant 0 : i32
      %dma_wait3A_19 = tpu.memref_slice %arg4[%add3A_6, %dma_wait3A_18] : memref<102400x32xf32, #tpu.memory_space<hbm>> -> memref<3200x32xf32, #tpu.memory_space<hbm>>
      tpu.wait_dma2 semaphore(%run_scoped3A : memref<!tpu.dma_semaphore, #tpu.memory_space<semaphore_mem>>) src(%arg6 : memref<3200x32xf32, #tpu.memory_space<vmem>>) dst(%dma_wait3A_19 : memref<3200x32xf32, #tpu.memory_space<hbm>>)
      tpu.yield
    }) : () -> ()
    %scan3A_11 = arith.constant 1 : i32
    return
  }
}

#map = affine_map<(d0, d1) -> (0)>
#map1 = affine_map<(d0, d1) -> (0, 0)>
module attributes {stable_mosaic.version = 14 : i64} {
  func.func @gather_kernel(%arg0: i32, %arg1: i32, %arg2: memref<102400xi32, #tpu.memory_space<hbm>>, %arg3: memref<1015808x32xf32, #tpu.memory_space<hbm>>, %arg4: memref<102400x32xf32, #tpu.memory_space<hbm>>, %arg5: memref<3200xi32, #tpu.memory_space<vmem>>, %arg6: memref<3200x32xf32, #tpu.memory_space<vmem>>, %arg7: memref<!tpu.dma_semaphore, #tpu.memory_space<semaphore_mem>>) attributes {dimension_semantics = [#tpu.dimension_semantics<core_parallel>, #tpu.dimension_semantics<subcore_parallel>], iteration_bounds = array<i64: 2, 16>, scalar_prefetch = 0 : i64, scratch_operands = 3 : i64, tpu.core_type = #tpu.core_type<sc_vector_subcore>, window_params = [{transform_indices = #map}, {transform_indices = #map1}, {transform_indices = #map1}]} {
    %mul3A = arith.constant 2 : i32
    %mul3A_0 = arith.muli %arg1, %mul3A : i32
    %add3A = arith.addi %mul3A_0, %arg0 : i32
    %mul3A_1 = arith.constant 3200 : i32
    %mul3A_2 = arith.muli %add3A, %mul3A_1 : i32
    %scan3A = arith.constant 0 : i32
    %scan3A_3 = arith.constant 0 : i32
    %mul3A_4 = arith.constant 3200 : i32
    %mul3A_5 = arith.muli %scan3A_3, %mul3A_4 : i32
    %add3A_6 = arith.addi %mul3A_2, %mul3A_5 : i32
    "tpu.region"() ({
      %run_scoped3A = tpu.sem_alloc : memref<!tpu.dma_semaphore, #tpu.memory_space<semaphore_mem>>
      %dma_start3A_12 = tpu.memref_slice %arg2[%add3A_6] : memref<102400xi32, #tpu.memory_space<hbm>> -> memref<3200xi32, #tpu.memory_space<hbm>>
      %dma_start3A_13 = tpu.memref_slice %arg2[%add3A_6] : memref<102400xi32, #tpu.memory_space<hbm>> -> memref<3200xi32, #tpu.memory_space<hbm>>
      tpu.enqueue_dma source(%dma_start3A_13 : memref<3200xi32, #tpu.memory_space<hbm>>) target(%arg5 : memref<3200xi32, #tpu.memory_space<vmem>>) target_semaphore(%run_scoped3A : memref<!tpu.dma_semaphore, #tpu.memory_space<semaphore_mem>>)
      %dma_wait3A_14 = tpu.memref_slice %arg2[%add3A_6] : memref<102400xi32, #tpu.memory_space<hbm>> -> memref<3200xi32, #tpu.memory_space<hbm>>
      %dma_wait3A_15 = tpu.memref_slice %arg2[%add3A_6] : memref<102400xi32, #tpu.memory_space<hbm>> -> memref<3200xi32, #tpu.memory_space<hbm>>
      tpu.wait_dma2 semaphore(%run_scoped3A : memref<!tpu.dma_semaphore, #tpu.memory_space<semaphore_mem>>) src(%dma_wait3A_15 : memref<3200xi32, #tpu.memory_space<hbm>>) dst(%arg5 : memref<3200xi32, #tpu.memory_space<vmem>>)
      tpu.yield
    }) : () -> ()
    %dma_start3A = arith.constant 0 : i32
    %dma_start3A_7 = arith.constant 0 : i32
    %dma_start3A_8 = tpu.memref_slice %arg3[%dma_start3A, %dma_start3A_7] : memref<1015808x32xf32, #tpu.memory_space<hbm>> -> memref<1015808x32xf32, #tpu.memory_space<hbm>>
    tpu.enqueue_indirect_dma source(%dma_start3A_8 : memref<1015808x32xf32, #tpu.memory_space<hbm>>) target(%arg6 : memref<3200x32xf32, #tpu.memory_space<vmem>>) offsets(%arg5 : memref<3200xi32, #tpu.memory_space<vmem>>) semaphore(%arg7 : memref<!tpu.dma_semaphore, #tpu.memory_space<semaphore_mem>>)
    %dma_wait3A = arith.constant 0 : i32
    %dma_wait3A_9 = arith.constant 0 : i32
    %dma_wait3A_10 = tpu.memref_slice %arg3[%dma_wait3A, %dma_wait3A_9] : memref<1015808x32xf32, #tpu.memory_space<hbm>> -> memref<1015808x32xf32, #tpu.memory_space<hbm>>
    tpu.wait_indirect_dma semaphore(%arg7 : memref<!tpu.dma_semaphore, #tpu.memory_space<semaphore_mem>>) src(%dma_wait3A_10 : memref<1015808x32xf32, #tpu.memory_space<hbm>>) dst(%arg6 : memref<3200x32xf32, #tpu.memory_space<vmem>>)
    "tpu.region"() ({
      %run_scoped3A = tpu.sem_alloc : memref<!tpu.dma_semaphore, #tpu.memory_space<semaphore_mem>>
      %dma_start3A_12 = arith.constant 0 : i32
      %dma_start3A_13 = tpu.memref_slice %arg4[%add3A_6, %dma_start3A_12] : memref<102400x32xf32, #tpu.memory_space<hbm>> -> memref<3200x32xf32, #tpu.memory_space<hbm>>
      %dma_start3A_14 = arith.constant 0 : i32
      %dma_start3A_15 = tpu.memref_slice %arg4[%add3A_6, %dma_start3A_14] : memref<102400x32xf32, #tpu.memory_space<hbm>> -> memref<3200x32xf32, #tpu.memory_space<hbm>>
      tpu.enqueue_dma source(%arg6 : memref<3200x32xf32, #tpu.memory_space<vmem>>) target(%dma_start3A_15 : memref<3200x32xf32, #tpu.memory_space<hbm>>) target_semaphore(%run_scoped3A : memref<!tpu.dma_semaphore, #tpu.memory_space<semaphore_mem>>)
      %dma_wait3A_16 = arith.constant 0 : i32
      %dma_wait3A_17 = tpu.memref_slice %arg4[%add3A_6, %dma_wait3A_16] : memref<102400x32xf32, #tpu.memory_space<hbm>> -> memref<3200x32xf32, #tpu.memory_space<hbm>>
      %dma_wait3A_18 = arith.constant 0 : i32
      %dma_wait3A_19 = tpu.memref_slice %arg4[%add3A_6, %dma_wait3A_18] : memref<102400x32xf32, #tpu.memory_space<hbm>> -> memref<3200x32xf32, #tpu.memory_space<hbm>>
      tpu.wait_dma2 semaphore(%run_scoped3A : memref<!tpu.dma_semaphore, #tpu.memory_space<semaphore_mem>>) src(%arg6 : memref<3200x32xf32, #tpu.memory_space<vmem>>) dst(%dma_wait3A_19 : memref<3200x32xf32, #tpu.memory_space<hbm>>)
      tpu.yield
    }) : () -> ()
    %scan3A_11 = arith.constant 1 : i32
    return
  }
}

#map = affine_map<(d0, d1) -> (0)>
#map1 = affine_map<(d0, d1) -> (0, 0)>
module attributes {stable_mosaic.version = 14 : i64} {
  func.func @gather_kernel(%arg0: i32, %arg1: i32, %arg2: memref<102400xi32, #tpu.memory_space<hbm>>, %arg3: memref<1015808x32xf32, #tpu.memory_space<hbm>>, %arg4: memref<102400x32xf32, #tpu.memory_space<hbm>>, %arg5: memref<3200xi32, #tpu.memory_space<vmem>>, %arg6: memref<3200x32xf32, #tpu.memory_space<vmem>>, %arg7: memref<!tpu.dma_semaphore, #tpu.memory_space<semaphore_mem>>) attributes {dimension_semantics = [#tpu.dimension_semantics<core_parallel>, #tpu.dimension_semantics<subcore_parallel>], iteration_bounds = array<i64: 2, 16>, scalar_prefetch = 0 : i64, scratch_operands = 3 : i64, tpu.core_type = #tpu.core_type<sc_vector_subcore>, window_params = [{transform_indices = #map}, {transform_indices = #map1}, {transform_indices = #map1}]} {
    %mul3A = arith.constant 2 : i32
    %mul3A_0 = arith.muli %arg1, %mul3A : i32
    %add3A = arith.addi %mul3A_0, %arg0 : i32
    %mul3A_1 = arith.constant 3200 : i32
    %mul3A_2 = arith.muli %add3A, %mul3A_1 : i32
    %scan3A = arith.constant 0 : i32
    %scan3A_3 = arith.constant 0 : i32
    %mul3A_4 = arith.constant 3200 : i32
    %mul3A_5 = arith.muli %scan3A_3, %mul3A_4 : i32
    %add3A_6 = arith.addi %mul3A_2, %mul3A_5 : i32
    "tpu.region"() ({
      %run_scoped3A = tpu.sem_alloc : memref<!tpu.dma_semaphore, #tpu.memory_space<semaphore_mem>>
      %dma_start3A_12 = tpu.memref_slice %arg2[%add3A_6] : memref<102400xi32, #tpu.memory_space<hbm>> -> memref<3200xi32, #tpu.memory_space<hbm>>
      %dma_start3A_13 = tpu.memref_slice %arg2[%add3A_6] : memref<102400xi32, #tpu.memory_space<hbm>> -> memref<3200xi32, #tpu.memory_space<hbm>>
      tpu.enqueue_dma source(%dma_start3A_13 : memref<3200xi32, #tpu.memory_space<hbm>>) target(%arg5 : memref<3200xi32, #tpu.memory_space<vmem>>) target_semaphore(%run_scoped3A : memref<!tpu.dma_semaphore, #tpu.memory_space<semaphore_mem>>)
      %dma_wait3A_14 = tpu.memref_slice %arg2[%add3A_6] : memref<102400xi32, #tpu.memory_space<hbm>> -> memref<3200xi32, #tpu.memory_space<hbm>>
      %dma_wait3A_15 = tpu.memref_slice %arg2[%add3A_6] : memref<102400xi32, #tpu.memory_space<hbm>> -> memref<3200xi32, #tpu.memory_space<hbm>>
      tpu.wait_dma2 semaphore(%run_scoped3A : memref<!tpu.dma_semaphore, #tpu.memory_space<semaphore_mem>>) src(%dma_wait3A_15 : memref<3200xi32, #tpu.memory_space<hbm>>) dst(%arg5 : memref<3200xi32, #tpu.memory_space<vmem>>)
      tpu.yield
    }) : () -> ()
    %dma_start3A = arith.constant 0 : i32
    %dma_start3A_7 = arith.constant 0 : i32
    %dma_start3A_8 = tpu.memref_slice %arg3[%dma_start3A, %dma_start3A_7] : memref<1015808x32xf32, #tpu.memory_space<hbm>> -> memref<1015808x32xf32, #tpu.memory_space<hbm>>
    tpu.enqueue_indirect_dma source(%dma_start3A_8 : memref<1015808x32xf32, #tpu.memory_space<hbm>>) target(%arg6 : memref<3200x32xf32, #tpu.memory_space<vmem>>) offsets(%arg5 : memref<3200xi32, #tpu.memory_space<vmem>>) semaphore(%arg7 : memref<!tpu.dma_semaphore, #tpu.memory_space<semaphore_mem>>)
    %dma_wait3A = arith.constant 0 : i32
    %dma_wait3A_9 = arith.constant 0 : i32
    %dma_wait3A_10 = tpu.memref_slice %arg3[%dma_wait3A, %dma_wait3A_9] : memref<1015808x32xf32, #tpu.memory_space<hbm>> -> memref<1015808x32xf32, #tpu.memory_space<hbm>>
    tpu.wait_indirect_dma semaphore(%arg7 : memref<!tpu.dma_semaphore, #tpu.memory_space<semaphore_mem>>) src(%dma_wait3A_10 : memref<1015808x32xf32, #tpu.memory_space<hbm>>) dst(%arg6 : memref<3200x32xf32, #tpu.memory_space<vmem>>)
    "tpu.region"() ({
      %run_scoped3A = tpu.sem_alloc : memref<!tpu.dma_semaphore, #tpu.memory_space<semaphore_mem>>
      %dma_start3A_12 = arith.constant 0 : i32
      %dma_start3A_13 = tpu.memref_slice %arg4[%add3A_6, %dma_start3A_12] : memref<102400x32xf32, #tpu.memory_space<hbm>> -> memref<3200x32xf32, #tpu.memory_space<hbm>>
      %dma_start3A_14 = arith.constant 0 : i32
      %dma_start3A_15 = tpu.memref_slice %arg4[%add3A_6, %dma_start3A_14] : memref<102400x32xf32, #tpu.memory_space<hbm>> -> memref<3200x32xf32, #tpu.memory_space<hbm>>
      tpu.enqueue_dma source(%arg6 : memref<3200x32xf32, #tpu.memory_space<vmem>>) target(%dma_start3A_15 : memref<3200x32xf32, #tpu.memory_space<hbm>>) target_semaphore(%run_scoped3A : memref<!tpu.dma_semaphore, #tpu.memory_space<semaphore_mem>>)
      %dma_wait3A_16 = arith.constant 0 : i32
      %dma_wait3A_17 = tpu.memref_slice %arg4[%add3A_6, %dma_wait3A_16] : memref<102400x32xf32, #tpu.memory_space<hbm>> -> memref<3200x32xf32, #tpu.memory_space<hbm>>
      %dma_wait3A_18 = arith.constant 0 : i32
      %dma_wait3A_19 = tpu.memref_slice %arg4[%add3A_6, %dma_wait3A_18] : memref<102400x32xf32, #tpu.memory_space<hbm>> -> memref<3200x32xf32, #tpu.memory_space<hbm>>
      tpu.wait_dma2 semaphore(%run_scoped3A : memref<!tpu.dma_semaphore, #tpu.memory_space<semaphore_mem>>) src(%arg6 : memref<3200x32xf32, #tpu.memory_space<vmem>>) dst(%dma_wait3A_19 : memref<3200x32xf32, #tpu.memory_space<hbm>>)
      tpu.yield
    }) : () -> ()
    %scan3A_11 = arith.constant 1 : i32
    return
  }
}

#map = affine_map<(d0, d1) -> (0)>
#map1 = affine_map<(d0, d1) -> (0, 0)>
module attributes {stable_mosaic.version = 14 : i64} {
  func.func @gather_kernel(%arg0: i32, %arg1: i32, %arg2: memref<102400xi32, #tpu.memory_space<hbm>>, %arg3: memref<1015808x32xf32, #tpu.memory_space<hbm>>, %arg4: memref<102400x32xf32, #tpu.memory_space<hbm>>, %arg5: memref<3200xi32, #tpu.memory_space<vmem>>, %arg6: memref<3200x32xf32, #tpu.memory_space<vmem>>, %arg7: memref<!tpu.dma_semaphore, #tpu.memory_space<semaphore_mem>>) attributes {dimension_semantics = [#tpu.dimension_semantics<core_parallel>, #tpu.dimension_semantics<subcore_parallel>], iteration_bounds = array<i64: 2, 16>, scalar_prefetch = 0 : i64, scratch_operands = 3 : i64, tpu.core_type = #tpu.core_type<sc_vector_subcore>, window_params = [{transform_indices = #map}, {transform_indices = #map1}, {transform_indices = #map1}]} {
    %mul3A = arith.constant 2 : i32
    %mul3A_0 = arith.muli %arg1, %mul3A : i32
    %add3A = arith.addi %mul3A_0, %arg0 : i32
    %mul3A_1 = arith.constant 3200 : i32
    %mul3A_2 = arith.muli %add3A, %mul3A_1 : i32
    %scan3A = arith.constant 0 : i32
    %scan3A_3 = arith.constant 0 : i32
    %mul3A_4 = arith.constant 3200 : i32
    %mul3A_5 = arith.muli %scan3A_3, %mul3A_4 : i32
    %add3A_6 = arith.addi %mul3A_2, %mul3A_5 : i32
    "tpu.region"() ({
      %run_scoped3A = tpu.sem_alloc : memref<!tpu.dma_semaphore, #tpu.memory_space<semaphore_mem>>
      %dma_start3A_12 = tpu.memref_slice %arg2[%add3A_6] : memref<102400xi32, #tpu.memory_space<hbm>> -> memref<3200xi32, #tpu.memory_space<hbm>>
      %dma_start3A_13 = tpu.memref_slice %arg2[%add3A_6] : memref<102400xi32, #tpu.memory_space<hbm>> -> memref<3200xi32, #tpu.memory_space<hbm>>
      tpu.enqueue_dma source(%dma_start3A_13 : memref<3200xi32, #tpu.memory_space<hbm>>) target(%arg5 : memref<3200xi32, #tpu.memory_space<vmem>>) target_semaphore(%run_scoped3A : memref<!tpu.dma_semaphore, #tpu.memory_space<semaphore_mem>>)
      %dma_wait3A_14 = tpu.memref_slice %arg2[%add3A_6] : memref<102400xi32, #tpu.memory_space<hbm>> -> memref<3200xi32, #tpu.memory_space<hbm>>
      %dma_wait3A_15 = tpu.memref_slice %arg2[%add3A_6] : memref<102400xi32, #tpu.memory_space<hbm>> -> memref<3200xi32, #tpu.memory_space<hbm>>
      tpu.wait_dma2 semaphore(%run_scoped3A : memref<!tpu.dma_semaphore, #tpu.memory_space<semaphore_mem>>) src(%dma_wait3A_15 : memref<3200xi32, #tpu.memory_space<hbm>>) dst(%arg5 : memref<3200xi32, #tpu.memory_space<vmem>>)
      tpu.yield
    }) : () -> ()
    %dma_start3A = arith.constant 0 : i32
    %dma_start3A_7 = arith.constant 0 : i32
    %dma_start3A_8 = tpu.memref_slice %arg3[%dma_start3A, %dma_start3A_7] : memref<1015808x32xf32, #tpu.memory_space<hbm>> -> memref<1015808x32xf32, #tpu.memory_space<hbm>>
    tpu.enqueue_indirect_dma source(%dma_start3A_8 : memref<1015808x32xf32, #tpu.memory_space<hbm>>) target(%arg6 : memref<3200x32xf32, #tpu.memory_space<vmem>>) offsets(%arg5 : memref<3200xi32, #tpu.memory_space<vmem>>) semaphore(%arg7 : memref<!tpu.dma_semaphore, #tpu.memory_space<semaphore_mem>>)
    %dma_wait3A = arith.constant 0 : i32
    %dma_wait3A_9 = arith.constant 0 : i32
    %dma_wait3A_10 = tpu.memref_slice %arg3[%dma_wait3A, %dma_wait3A_9] : memref<1015808x32xf32, #tpu.memory_space<hbm>> -> memref<1015808x32xf32, #tpu.memory_space<hbm>>
    tpu.wait_indirect_dma semaphore(%arg7 : memref<!tpu.dma_semaphore, #tpu.memory_space<semaphore_mem>>) src(%dma_wait3A_10 : memref<1015808x32xf32, #tpu.memory_space<hbm>>) dst(%arg6 : memref<3200x32xf32, #tpu.memory_space<vmem>>)
    "tpu.region"() ({
      %run_scoped3A = tpu.sem_alloc : memref<!tpu.dma_semaphore, #tpu.memory_space<semaphore_mem>>
      %dma_start3A_12 = arith.constant 0 : i32
      %dma_start3A_13 = tpu.memref_slice %arg4[%add3A_6, %dma_start3A_12] : memref<102400x32xf32, #tpu.memory_space<hbm>> -> memref<3200x32xf32, #tpu.memory_space<hbm>>
      %dma_start3A_14 = arith.constant 0 : i32
      %dma_start3A_15 = tpu.memref_slice %arg4[%add3A_6, %dma_start3A_14] : memref<102400x32xf32, #tpu.memory_space<hbm>> -> memref<3200x32xf32, #tpu.memory_space<hbm>>
      tpu.enqueue_dma source(%arg6 : memref<3200x32xf32, #tpu.memory_space<vmem>>) target(%dma_start3A_15 : memref<3200x32xf32, #tpu.memory_space<hbm>>) target_semaphore(%run_scoped3A : memref<!tpu.dma_semaphore, #tpu.memory_space<semaphore_mem>>)
      %dma_wait3A_16 = arith.constant 0 : i32
      %dma_wait3A_17 = tpu.memref_slice %arg4[%add3A_6, %dma_wait3A_16] : memref<102400x32xf32, #tpu.memory_space<hbm>> -> memref<3200x32xf32, #tpu.memory_space<hbm>>
      %dma_wait3A_18 = arith.constant 0 : i32
      %dma_wait3A_19 = tpu.memref_slice %arg4[%add3A_6, %dma_wait3A_18] : memref<102400x32xf32, #tpu.memory_space<hbm>> -> memref<3200x32xf32, #tpu.memory_space<hbm>>
      tpu.wait_dma2 semaphore(%run_scoped3A : memref<!tpu.dma_semaphore, #tpu.memory_space<semaphore_mem>>) src(%arg6 : memref<3200x32xf32, #tpu.memory_space<vmem>>) dst(%dma_wait3A_19 : memref<3200x32xf32, #tpu.memory_space<hbm>>)
      tpu.yield
    }) : () -> ()
    %scan3A_11 = arith.constant 1 : i32
    return
  }
}

#map = affine_map<(d0, d1) -> (0)>
#map1 = affine_map<(d0, d1) -> (0, 0)>
module attributes {stable_mosaic.version = 14 : i64} {
  func.func @gather_kernel(%arg0: i32, %arg1: i32, %arg2: memref<102400xi32, #tpu.memory_space<hbm>>, %arg3: memref<1015808x32xf32, #tpu.memory_space<hbm>>, %arg4: memref<102400x32xf32, #tpu.memory_space<hbm>>, %arg5: memref<3200xi32, #tpu.memory_space<vmem>>, %arg6: memref<3200x32xf32, #tpu.memory_space<vmem>>, %arg7: memref<!tpu.dma_semaphore, #tpu.memory_space<semaphore_mem>>) attributes {dimension_semantics = [#tpu.dimension_semantics<core_parallel>, #tpu.dimension_semantics<subcore_parallel>], iteration_bounds = array<i64: 2, 16>, scalar_prefetch = 0 : i64, scratch_operands = 3 : i64, tpu.core_type = #tpu.core_type<sc_vector_subcore>, window_params = [{transform_indices = #map}, {transform_indices = #map1}, {transform_indices = #map1}]} {
    %mul3A = arith.constant 2 : i32
    %mul3A_0 = arith.muli %arg1, %mul3A : i32
    %add3A = arith.addi %mul3A_0, %arg0 : i32
    %mul3A_1 = arith.constant 3200 : i32
    %mul3A_2 = arith.muli %add3A, %mul3A_1 : i32
    %scan3A = arith.constant 0 : i32
    %scan3A_3 = arith.constant 0 : i32
    %mul3A_4 = arith.constant 3200 : i32
    %mul3A_5 = arith.muli %scan3A_3, %mul3A_4 : i32
    %add3A_6 = arith.addi %mul3A_2, %mul3A_5 : i32
    "tpu.region"() ({
      %run_scoped3A = tpu.sem_alloc : memref<!tpu.dma_semaphore, #tpu.memory_space<semaphore_mem>>
      %dma_start3A_12 = tpu.memref_slice %arg2[%add3A_6] : memref<102400xi32, #tpu.memory_space<hbm>> -> memref<3200xi32, #tpu.memory_space<hbm>>
      %dma_start3A_13 = tpu.memref_slice %arg2[%add3A_6] : memref<102400xi32, #tpu.memory_space<hbm>> -> memref<3200xi32, #tpu.memory_space<hbm>>
      tpu.enqueue_dma source(%dma_start3A_13 : memref<3200xi32, #tpu.memory_space<hbm>>) target(%arg5 : memref<3200xi32, #tpu.memory_space<vmem>>) target_semaphore(%run_scoped3A : memref<!tpu.dma_semaphore, #tpu.memory_space<semaphore_mem>>)
      %dma_wait3A_14 = tpu.memref_slice %arg2[%add3A_6] : memref<102400xi32, #tpu.memory_space<hbm>> -> memref<3200xi32, #tpu.memory_space<hbm>>
      %dma_wait3A_15 = tpu.memref_slice %arg2[%add3A_6] : memref<102400xi32, #tpu.memory_space<hbm>> -> memref<3200xi32, #tpu.memory_space<hbm>>
      tpu.wait_dma2 semaphore(%run_scoped3A : memref<!tpu.dma_semaphore, #tpu.memory_space<semaphore_mem>>) src(%dma_wait3A_15 : memref<3200xi32, #tpu.memory_space<hbm>>) dst(%arg5 : memref<3200xi32, #tpu.memory_space<vmem>>)
      tpu.yield
    }) : () -> ()
    %dma_start3A = arith.constant 0 : i32
    %dma_start3A_7 = arith.constant 0 : i32
    %dma_start3A_8 = tpu.memref_slice %arg3[%dma_start3A, %dma_start3A_7] : memref<1015808x32xf32, #tpu.memory_space<hbm>> -> memref<1015808x32xf32, #tpu.memory_space<hbm>>
    tpu.enqueue_indirect_dma source(%dma_start3A_8 : memref<1015808x32xf32, #tpu.memory_space<hbm>>) target(%arg6 : memref<3200x32xf32, #tpu.memory_space<vmem>>) offsets(%arg5 : memref<3200xi32, #tpu.memory_space<vmem>>) semaphore(%arg7 : memref<!tpu.dma_semaphore, #tpu.memory_space<semaphore_mem>>)
    %dma_wait3A = arith.constant 0 : i32
    %dma_wait3A_9 = arith.constant 0 : i32
    %dma_wait3A_10 = tpu.memref_slice %arg3[%dma_wait3A, %dma_wait3A_9] : memref<1015808x32xf32, #tpu.memory_space<hbm>> -> memref<1015808x32xf32, #tpu.memory_space<hbm>>
    tpu.wait_indirect_dma semaphore(%arg7 : memref<!tpu.dma_semaphore, #tpu.memory_space<semaphore_mem>>) src(%dma_wait3A_10 : memref<1015808x32xf32, #tpu.memory_space<hbm>>) dst(%arg6 : memref<3200x32xf32, #tpu.memory_space<vmem>>)
    "tpu.region"() ({
      %run_scoped3A = tpu.sem_alloc : memref<!tpu.dma_semaphore, #tpu.memory_space<semaphore_mem>>
      %dma_start3A_12 = arith.constant 0 : i32
      %dma_start3A_13 = tpu.memref_slice %arg4[%add3A_6, %dma_start3A_12] : memref<102400x32xf32, #tpu.memory_space<hbm>> -> memref<3200x32xf32, #tpu.memory_space<hbm>>
      %dma_start3A_14 = arith.constant 0 : i32
      %dma_start3A_15 = tpu.memref_slice %arg4[%add3A_6, %dma_start3A_14] : memref<102400x32xf32, #tpu.memory_space<hbm>> -> memref<3200x32xf32, #tpu.memory_space<hbm>>
      tpu.enqueue_dma source(%arg6 : memref<3200x32xf32, #tpu.memory_space<vmem>>) target(%dma_start3A_15 : memref<3200x32xf32, #tpu.memory_space<hbm>>) target_semaphore(%run_scoped3A : memref<!tpu.dma_semaphore, #tpu.memory_space<semaphore_mem>>)
      %dma_wait3A_16 = arith.constant 0 : i32
      %dma_wait3A_17 = tpu.memref_slice %arg4[%add3A_6, %dma_wait3A_16] : memref<102400x32xf32, #tpu.memory_space<hbm>> -> memref<3200x32xf32, #tpu.memory_space<hbm>>
      %dma_wait3A_18 = arith.constant 0 : i32
      %dma_wait3A_19 = tpu.memref_slice %arg4[%add3A_6, %dma_wait3A_18] : memref<102400x32xf32, #tpu.memory_space<hbm>> -> memref<3200x32xf32, #tpu.memory_space<hbm>>
      tpu.wait_dma2 semaphore(%run_scoped3A : memref<!tpu.dma_semaphore, #tpu.memory_space<semaphore_mem>>) src(%arg6 : memref<3200x32xf32, #tpu.memory_space<vmem>>) dst(%dma_wait3A_19 : memref<3200x32xf32, #tpu.memory_space<hbm>>)
      tpu.yield
    }) : () -> ()
    %scan3A_11 = arith.constant 1 : i32
    return
  }
}

#map = affine_map<(d0, d1) -> (0)>
#map1 = affine_map<(d0, d1) -> (0, 0)>
module attributes {stable_mosaic.version = 14 : i64} {
  func.func @gather_kernel(%arg0: i32, %arg1: i32, %arg2: memref<102400xi32, #tpu.memory_space<hbm>>, %arg3: memref<1015808x32xf32, #tpu.memory_space<hbm>>, %arg4: memref<102400x32xf32, #tpu.memory_space<hbm>>, %arg5: memref<3200xi32, #tpu.memory_space<vmem>>, %arg6: memref<3200x32xf32, #tpu.memory_space<vmem>>, %arg7: memref<!tpu.dma_semaphore, #tpu.memory_space<semaphore_mem>>) attributes {dimension_semantics = [#tpu.dimension_semantics<core_parallel>, #tpu.dimension_semantics<subcore_parallel>], iteration_bounds = array<i64: 2, 16>, scalar_prefetch = 0 : i64, scratch_operands = 3 : i64, tpu.core_type = #tpu.core_type<sc_vector_subcore>, window_params = [{transform_indices = #map}, {transform_indices = #map1}, {transform_indices = #map1}]} {
    %mul3A = arith.constant 2 : i32
    %mul3A_0 = arith.muli %arg1, %mul3A : i32
    %add3A = arith.addi %mul3A_0, %arg0 : i32
    %mul3A_1 = arith.constant 3200 : i32
    %mul3A_2 = arith.muli %add3A, %mul3A_1 : i32
    %scan3A = arith.constant 0 : i32
    %scan3A_3 = arith.constant 0 : i32
    %mul3A_4 = arith.constant 3200 : i32
    %mul3A_5 = arith.muli %scan3A_3, %mul3A_4 : i32
    %add3A_6 = arith.addi %mul3A_2, %mul3A_5 : i32
    "tpu.region"() ({
      %run_scoped3A = tpu.sem_alloc : memref<!tpu.dma_semaphore, #tpu.memory_space<semaphore_mem>>
      %dma_start3A_12 = tpu.memref_slice %arg2[%add3A_6] : memref<102400xi32, #tpu.memory_space<hbm>> -> memref<3200xi32, #tpu.memory_space<hbm>>
      %dma_start3A_13 = tpu.memref_slice %arg2[%add3A_6] : memref<102400xi32, #tpu.memory_space<hbm>> -> memref<3200xi32, #tpu.memory_space<hbm>>
      tpu.enqueue_dma source(%dma_start3A_13 : memref<3200xi32, #tpu.memory_space<hbm>>) target(%arg5 : memref<3200xi32, #tpu.memory_space<vmem>>) target_semaphore(%run_scoped3A : memref<!tpu.dma_semaphore, #tpu.memory_space<semaphore_mem>>)
      %dma_wait3A_14 = tpu.memref_slice %arg2[%add3A_6] : memref<102400xi32, #tpu.memory_space<hbm>> -> memref<3200xi32, #tpu.memory_space<hbm>>
      %dma_wait3A_15 = tpu.memref_slice %arg2[%add3A_6] : memref<102400xi32, #tpu.memory_space<hbm>> -> memref<3200xi32, #tpu.memory_space<hbm>>
      tpu.wait_dma2 semaphore(%run_scoped3A : memref<!tpu.dma_semaphore, #tpu.memory_space<semaphore_mem>>) src(%dma_wait3A_15 : memref<3200xi32, #tpu.memory_space<hbm>>) dst(%arg5 : memref<3200xi32, #tpu.memory_space<vmem>>)
      tpu.yield
    }) : () -> ()
    %dma_start3A = arith.constant 0 : i32
    %dma_start3A_7 = arith.constant 0 : i32
    %dma_start3A_8 = tpu.memref_slice %arg3[%dma_start3A, %dma_start3A_7] : memref<1015808x32xf32, #tpu.memory_space<hbm>> -> memref<1015808x32xf32, #tpu.memory_space<hbm>>
    tpu.enqueue_indirect_dma source(%dma_start3A_8 : memref<1015808x32xf32, #tpu.memory_space<hbm>>) target(%arg6 : memref<3200x32xf32, #tpu.memory_space<vmem>>) offsets(%arg5 : memref<3200xi32, #tpu.memory_space<vmem>>) semaphore(%arg7 : memref<!tpu.dma_semaphore, #tpu.memory_space<semaphore_mem>>)
    %dma_wait3A = arith.constant 0 : i32
    %dma_wait3A_9 = arith.constant 0 : i32
    %dma_wait3A_10 = tpu.memref_slice %arg3[%dma_wait3A, %dma_wait3A_9] : memref<1015808x32xf32, #tpu.memory_space<hbm>> -> memref<1015808x32xf32, #tpu.memory_space<hbm>>
    tpu.wait_indirect_dma semaphore(%arg7 : memref<!tpu.dma_semaphore, #tpu.memory_space<semaphore_mem>>) src(%dma_wait3A_10 : memref<1015808x32xf32, #tpu.memory_space<hbm>>) dst(%arg6 : memref<3200x32xf32, #tpu.memory_space<vmem>>)
    "tpu.region"() ({
      %run_scoped3A = tpu.sem_alloc : memref<!tpu.dma_semaphore, #tpu.memory_space<semaphore_mem>>
      %dma_start3A_12 = arith.constant 0 : i32
      %dma_start3A_13 = tpu.memref_slice %arg4[%add3A_6, %dma_start3A_12] : memref<102400x32xf32, #tpu.memory_space<hbm>> -> memref<3200x32xf32, #tpu.memory_space<hbm>>
      %dma_start3A_14 = arith.constant 0 : i32
      %dma_start3A_15 = tpu.memref_slice %arg4[%add3A_6, %dma_start3A_14] : memref<102400x32xf32, #tpu.memory_space<hbm>> -> memref<3200x32xf32, #tpu.memory_space<hbm>>
      tpu.enqueue_dma source(%arg6 : memref<3200x32xf32, #tpu.memory_space<vmem>>) target(%dma_start3A_15 : memref<3200x32xf32, #tpu.memory_space<hbm>>) target_semaphore(%run_scoped3A : memref<!tpu.dma_semaphore, #tpu.memory_space<semaphore_mem>>)
      %dma_wait3A_16 = arith.constant 0 : i32
      %dma_wait3A_17 = tpu.memref_slice %arg4[%add3A_6, %dma_wait3A_16] : memref<102400x32xf32, #tpu.memory_space<hbm>> -> memref<3200x32xf32, #tpu.memory_space<hbm>>
      %dma_wait3A_18 = arith.constant 0 : i32
      %dma_wait3A_19 = tpu.memref_slice %arg4[%add3A_6, %dma_wait3A_18] : memref<102400x32xf32, #tpu.memory_space<hbm>> -> memref<3200x32xf32, #tpu.memory_space<hbm>>
      tpu.wait_dma2 semaphore(%run_scoped3A : memref<!tpu.dma_semaphore, #tpu.memory_space<semaphore_mem>>) src(%arg6 : memref<3200x32xf32, #tpu.memory_space<vmem>>) dst(%dma_wait3A_19 : memref<3200x32xf32, #tpu.memory_space<hbm>>)
      tpu.yield
    }) : () -> ()
    %scan3A_11 = arith.constant 1 : i32
    return
  }
}

#map = affine_map<(d0, d1) -> (0)>
#map1 = affine_map<(d0, d1) -> (0, 0)>
module attributes {stable_mosaic.version = 14 : i64} {
  func.func @gather_kernel(%arg0: i32, %arg1: i32, %arg2: memref<102400xi32, #tpu.memory_space<hbm>>, %arg3: memref<1015808x32xf32, #tpu.memory_space<hbm>>, %arg4: memref<102400x32xf32, #tpu.memory_space<hbm>>, %arg5: memref<3200xi32, #tpu.memory_space<vmem>>, %arg6: memref<3200x32xf32, #tpu.memory_space<vmem>>, %arg7: memref<!tpu.dma_semaphore, #tpu.memory_space<semaphore_mem>>) attributes {dimension_semantics = [#tpu.dimension_semantics<core_parallel>, #tpu.dimension_semantics<subcore_parallel>], iteration_bounds = array<i64: 2, 16>, scalar_prefetch = 0 : i64, scratch_operands = 3 : i64, tpu.core_type = #tpu.core_type<sc_vector_subcore>, window_params = [{transform_indices = #map}, {transform_indices = #map1}, {transform_indices = #map1}]} {
    %mul3A = arith.constant 2 : i32
    %mul3A_0 = arith.muli %arg1, %mul3A : i32
    %add3A = arith.addi %mul3A_0, %arg0 : i32
    %mul3A_1 = arith.constant 3200 : i32
    %mul3A_2 = arith.muli %add3A, %mul3A_1 : i32
    %scan3A = arith.constant 0 : i32
    %scan3A_3 = arith.constant 0 : i32
    %mul3A_4 = arith.constant 3200 : i32
    %mul3A_5 = arith.muli %scan3A_3, %mul3A_4 : i32
    %add3A_6 = arith.addi %mul3A_2, %mul3A_5 : i32
    "tpu.region"() ({
      %run_scoped3A = tpu.sem_alloc : memref<!tpu.dma_semaphore, #tpu.memory_space<semaphore_mem>>
      %dma_start3A_12 = tpu.memref_slice %arg2[%add3A_6] : memref<102400xi32, #tpu.memory_space<hbm>> -> memref<3200xi32, #tpu.memory_space<hbm>>
      %dma_start3A_13 = tpu.memref_slice %arg2[%add3A_6] : memref<102400xi32, #tpu.memory_space<hbm>> -> memref<3200xi32, #tpu.memory_space<hbm>>
      tpu.enqueue_dma source(%dma_start3A_13 : memref<3200xi32, #tpu.memory_space<hbm>>) target(%arg5 : memref<3200xi32, #tpu.memory_space<vmem>>) target_semaphore(%run_scoped3A : memref<!tpu.dma_semaphore, #tpu.memory_space<semaphore_mem>>)
      %dma_wait3A_14 = tpu.memref_slice %arg2[%add3A_6] : memref<102400xi32, #tpu.memory_space<hbm>> -> memref<3200xi32, #tpu.memory_space<hbm>>
      %dma_wait3A_15 = tpu.memref_slice %arg2[%add3A_6] : memref<102400xi32, #tpu.memory_space<hbm>> -> memref<3200xi32, #tpu.memory_space<hbm>>
      tpu.wait_dma2 semaphore(%run_scoped3A : memref<!tpu.dma_semaphore, #tpu.memory_space<semaphore_mem>>) src(%dma_wait3A_15 : memref<3200xi32, #tpu.memory_space<hbm>>) dst(%arg5 : memref<3200xi32, #tpu.memory_space<vmem>>)
      tpu.yield
    }) : () -> ()
    %dma_start3A = arith.constant 0 : i32
    %dma_start3A_7 = arith.constant 0 : i32
    %dma_start3A_8 = tpu.memref_slice %arg3[%dma_start3A, %dma_start3A_7] : memref<1015808x32xf32, #tpu.memory_space<hbm>> -> memref<1015808x32xf32, #tpu.memory_space<hbm>>
    tpu.enqueue_indirect_dma source(%dma_start3A_8 : memref<1015808x32xf32, #tpu.memory_space<hbm>>) target(%arg6 : memref<3200x32xf32, #tpu.memory_space<vmem>>) offsets(%arg5 : memref<3200xi32, #tpu.memory_space<vmem>>) semaphore(%arg7 : memref<!tpu.dma_semaphore, #tpu.memory_space<semaphore_mem>>)
    %dma_wait3A = arith.constant 0 : i32
    %dma_wait3A_9 = arith.constant 0 : i32
    %dma_wait3A_10 = tpu.memref_slice %arg3[%dma_wait3A, %dma_wait3A_9] : memref<1015808x32xf32, #tpu.memory_space<hbm>> -> memref<1015808x32xf32, #tpu.memory_space<hbm>>
    tpu.wait_indirect_dma semaphore(%arg7 : memref<!tpu.dma_semaphore, #tpu.memory_space<semaphore_mem>>) src(%dma_wait3A_10 : memref<1015808x32xf32, #tpu.memory_space<hbm>>) dst(%arg6 : memref<3200x32xf32, #tpu.memory_space<vmem>>)
    "tpu.region"() ({
      %run_scoped3A = tpu.sem_alloc : memref<!tpu.dma_semaphore, #tpu.memory_space<semaphore_mem>>
      %dma_start3A_12 = arith.constant 0 : i32
      %dma_start3A_13 = tpu.memref_slice %arg4[%add3A_6, %dma_start3A_12] : memref<102400x32xf32, #tpu.memory_space<hbm>> -> memref<3200x32xf32, #tpu.memory_space<hbm>>
      %dma_start3A_14 = arith.constant 0 : i32
      %dma_start3A_15 = tpu.memref_slice %arg4[%add3A_6, %dma_start3A_14] : memref<102400x32xf32, #tpu.memory_space<hbm>> -> memref<3200x32xf32, #tpu.memory_space<hbm>>
      tpu.enqueue_dma source(%arg6 : memref<3200x32xf32, #tpu.memory_space<vmem>>) target(%dma_start3A_15 : memref<3200x32xf32, #tpu.memory_space<hbm>>) target_semaphore(%run_scoped3A : memref<!tpu.dma_semaphore, #tpu.memory_space<semaphore_mem>>)
      %dma_wait3A_16 = arith.constant 0 : i32
      %dma_wait3A_17 = tpu.memref_slice %arg4[%add3A_6, %dma_wait3A_16] : memref<102400x32xf32, #tpu.memory_space<hbm>> -> memref<3200x32xf32, #tpu.memory_space<hbm>>
      %dma_wait3A_18 = arith.constant 0 : i32
      %dma_wait3A_19 = tpu.memref_slice %arg4[%add3A_6, %dma_wait3A_18] : memref<102400x32xf32, #tpu.memory_space<hbm>> -> memref<3200x32xf32, #tpu.memory_space<hbm>>
      tpu.wait_dma2 semaphore(%run_scoped3A : memref<!tpu.dma_semaphore, #tpu.memory_space<semaphore_mem>>) src(%arg6 : memref<3200x32xf32, #tpu.memory_space<vmem>>) dst(%dma_wait3A_19 : memref<3200x32xf32, #tpu.memory_space<hbm>>)
      tpu.yield
    }) : () -> ()
    %scan3A_11 = arith.constant 1 : i32
    return
  }
}

module attributes {stable_mosaic.version = 14 : i64} {
  func.func @_xp_body(%arg0: i32, %arg1: memref<32x8192xf32, #tpu.memory_space<vmem>>, %arg2: memref<32x8192xf32, #tpu.memory_space<vmem>>, %arg3: memref<32x8192xf32, #tpu.memory_space<vmem>>, %arg4: memref<32x8192xf32, #tpu.memory_space<vmem>>, %arg5: memref<8192x128xf32, #tpu.memory_space<vmem>>) attributes {dimension_semantics = [#tpu.dimension_semantics<arbitrary>], iteration_bounds = array<i64: 31>, scalar_prefetch = 0 : i64, scratch_operands = 0 : i64, tpu.core_type = #tpu.core_type<tc>, window_params = [{transform_indices = @transform_0, window_bounds = array<i64: 32, 8192>}, {transform_indices = @transform_1, window_bounds = array<i64: 32, 8192>}, {transform_indices = @transform_2, window_bounds = array<i64: 32, 8192>}, {transform_indices = @transform_3, window_bounds = array<i64: 32, 8192>}, {transform_indices = @transform_4, window_bounds = array<i64: 8192, 128>}]} {
    %get3A = arith.constant 0 : index
    %get3A_0 = arith.constant 0 : index
    %get3A_1 = vector.load %arg1[%get3A, %get3A_0] : memref<32x8192xf32, #tpu.memory_space<vmem>>, vector<32x8192xf32>
    %transpose3A = tpu.transpose %get3A_1, [1, 0] : vector<32x8192xf32> -> vector<8192x32xf32>
    %swap3A = arith.constant 0 : index
    %swap3A_2 = arith.constant 0 : index
    %swap3A_3 = vector.load %arg5[%swap3A, %swap3A_2] : memref<8192x128xf32, #tpu.memory_space<vmem>>, vector<8192x32xf32>
    tpu.vector_store %arg5[%swap3A, %swap3A_2], %transpose3A {strides = array<i32>} : memref<8192x128xf32, #tpu.memory_space<vmem>>, vector<8192x32xf32>,
    %get3A_4 = arith.constant 0 : index
    %get3A_5 = arith.constant 0 : index
    %get3A_6 = vector.load %arg2[%get3A_4, %get3A_5] : memref<32x8192xf32, #tpu.memory_space<vmem>>, vector<32x8192xf32>
    %transpose3A_7 = tpu.transpose %get3A_6, [1, 0] : vector<32x8192xf32> -> vector<8192x32xf32>
    %swap3A_8 = arith.constant 0 : index
    %swap3A_9 = arith.constant 32 : index
    %swap3A_10 = vector.load %arg5[%swap3A_8, %swap3A_9] : memref<8192x128xf32, #tpu.memory_space<vmem>>, vector<8192x32xf32>
    tpu.vector_store %arg5[%swap3A_8, %swap3A_9], %transpose3A_7 {strides = array<i32>} : memref<8192x128xf32, #tpu.memory_space<vmem>>, vector<8192x32xf32>,
    %get3A_11 = arith.constant 0 : index
    %get3A_12 = arith.constant 0 : index
    %get3A_13 = vector.load %arg3[%get3A_11, %get3A_12] : memref<32x8192xf32, #tpu.memory_space<vmem>>, vector<32x8192xf32>
    %transpose3A_14 = tpu.transpose %get3A_13, [1, 0] : vector<32x8192xf32> -> vector<8192x32xf32>
    %swap3A_15 = arith.constant 0 : index
    %swap3A_16 = arith.constant 64 : index
    %swap3A_17 = vector.load %arg5[%swap3A_15, %swap3A_16] : memref<8192x128xf32, #tpu.memory_space<vmem>>, vector<8192x32xf32>
    tpu.vector_store %arg5[%swap3A_15, %swap3A_16], %transpose3A_14 {strides = array<i32>} : memref<8192x128xf32, #tpu.memory_space<vmem>>, vector<8192x32xf32>,
    %get3A_18 = arith.constant 0 : index
    %get3A_19 = arith.constant 0 : index
    %get3A_20 = vector.load %arg4[%get3A_18, %get3A_19] : memref<32x8192xf32, #tpu.memory_space<vmem>>, vector<32x8192xf32>
    %transpose3A_21 = tpu.transpose %get3A_20, [1, 0] : vector<32x8192xf32> -> vector<8192x32xf32>
    %swap3A_22 = arith.constant 0 : index
    %swap3A_23 = arith.constant 96 : index
    %swap3A_24 = vector.load %arg5[%swap3A_22, %swap3A_23] : memref<8192x128xf32, #tpu.memory_space<vmem>>, vector<8192x32xf32>
    tpu.vector_store %arg5[%swap3A_22, %swap3A_23], %transpose3A_21 {strides = array<i32>} : memref<8192x128xf32, #tpu.memory_space<vmem>>, vector<8192x32xf32>,
    return
  }
  func.func @transform_0(%arg0: i32) -> (i32, i32) {
    %add3A = arith.constant 0 : i32
    %add3A_0 = arith.addi %add3A, %arg0 : i32
    %min3A = arith.constant 122 : i32
    %min3A_1 = arith.minsi %add3A_0, %min3A : i32
    %c0_i32 = arith.constant 0 : i32
    %c0_i32_2 = arith.constant 0 : i32
    return %c0_i32, %min3A_1 : i32, i32
  }
  func.func @transform_1(%arg0: i32) -> (i32, i32) {
    %add3A = arith.constant 31 : i32
    %add3A_0 = arith.addi %add3A, %arg0 : i32
    %min3A = arith.constant 122 : i32
    %min3A_1 = arith.minsi %add3A_0, %min3A : i32
    %c0_i32 = arith.constant 0 : i32
    %c0_i32_2 = arith.constant 0 : i32
    return %c0_i32, %min3A_1 : i32, i32
  }
  func.func @transform_2(%arg0: i32) -> (i32, i32) {
    %add3A = arith.constant 62 : i32
    %add3A_0 = arith.addi %add3A, %arg0 : i32
    %min3A = arith.constant 122 : i32
    %min3A_1 = arith.minsi %add3A_0, %min3A : i32
    %c0_i32 = arith.constant 0 : i32
    %c0_i32_2 = arith.constant 0 : i32
    return %c0_i32, %min3A_1 : i32, i32
  }
  func.func @transform_3(%arg0: i32) -> (i32, i32) {
    %add3A = arith.constant 93 : i32
    %add3A_0 = arith.addi %add3A, %arg0 : i32
    %min3A = arith.constant 122 : i32
    %min3A_1 = arith.minsi %add3A_0, %min3A : i32
    %c0_i32 = arith.constant 0 : i32
    %c0_i32_2 = arith.constant 0 : i32
    return %c0_i32, %min3A_1 : i32, i32
  }
  func.func @transform_4(%arg0: i32) -> (i32, i32) {
    %c0_i32 = arith.constant 0 : i32
    %c0_i32_0 = arith.constant 0 : i32
    return %arg0, %c0_i32 : i32, i32
  }
}

module attributes {stable_mosaic.version = 14 : i64} {
  func.func @_tc_body(%arg0: i32, %arg1: memref<6400x128xf32, #tpu.memory_space<vmem>>, %arg2: memref<128x128xf32, #tpu.memory_space<vmem>>, %arg3: memref<6400x128xf32, #tpu.memory_space<vmem>>) attributes {dimension_semantics = [#tpu.dimension_semantics<arbitrary>], iteration_bounds = array<i64: 4>, scalar_prefetch = 0 : i64, scratch_operands = 0 : i64, tpu.core_type = #tpu.core_type<tc>, window_params = [{transform_indices = @transform_0, window_bounds = array<i64: 6400, 128>}, {pipeline_mode = #tpu.pipeline_mode<synchronous>, transform_indices = @transform_1, window_bounds = array<i64: 128, 128>}, {transform_indices = @transform_2, window_bounds = array<i64: 6400, 128>}]} {
    %get3A = arith.constant 0 : index
    %get3A_0 = arith.constant 0 : index
    %get3A_1 = vector.load %arg1[%get3A, %get3A_0] : memref<6400x128xf32, #tpu.memory_space<vmem>>, vector<6400x128xf32>
    %mul3A = arith.mulf %get3A_1, %get3A_1 : vector<6400x128xf32>
    %get3A_2 = arith.constant 0 : index
    %get3A_3 = arith.constant 0 : index
    %get3A_4 = vector.load %arg2[%get3A_2, %get3A_3] : memref<128x128xf32, #tpu.memory_space<vmem>>, vector<128x128xf32>
    %dot_general3A = arith.constant dense<0.000000e+00> : vector<6400x128xf32>
    %dot_general3A_5 = tpu.matmul %mul3A, %get3A_4, %dot_general3A {dimension_numbers = #tpu.dot_dimension_numbers<[1], [0], [0], [1], [0, 0, 1, 1], [], []>, transpose_lhs_hint = false} : vector<6400x128xf32>, vector<128x128xf32>, vector<6400x128xf32> -> vector<6400x128xf32>
    %add3A = arith.constant 1.000000e+00 : f32
    %add3A_6 = vector.broadcast %add3A : f32 to vector<6400x128xf32>
    %add3A_7 = arith.addf %add3A_6, %dot_general3A_5 : vector<6400x128xf32>
    %sqrt3A = math.sqrt %add3A_7 : vector<6400x128xf32>
    %max3A = arith.constant 1.00000095 : f32
    %max3A_8 = vector.broadcast %max3A : f32 to vector<6400x128xf32>
    %max3A_9 = arith.maximumf %sqrt3A, %max3A_8 : vector<6400x128xf32>
    %mul3A_10 = arith.mulf %sqrt3A, %sqrt3A : vector<6400x128xf32>
    %sub3A = arith.constant 1.000000e+00 : f32
    %sub3A_11 = vector.broadcast %sub3A : f32 to vector<6400x128xf32>
    %sub3A_12 = arith.subf %mul3A_10, %sub3A_11 : vector<6400x128xf32>
    %max3A_13 = arith.constant 9.99999997E-7 : f32
    %max3A_14 = vector.broadcast %max3A_13 : f32 to vector<6400x128xf32>
    %max3A_15 = arith.maximumf %sub3A_12, %max3A_14 : vector<6400x128xf32>
    %rsqrt3A = math.rsqrt %max3A_15 : vector<6400x128xf32>
    %mul3A_16 = arith.mulf %max3A_15, %rsqrt3A : vector<6400x128xf32>
    %add3A_17 = arith.addf %max3A_9, %mul3A_16 : vector<6400x128xf32>
    %log3A = math.log %add3A_17 : vector<6400x128xf32>
    %mul3A_18 = arith.mulf %log3A, %rsqrt3A : vector<6400x128xf32>
    %mul3A_19 = arith.mulf %mul3A_18, %get3A_1 : vector<6400x128xf32>
    %swap3A = arith.constant 0 : index
    %swap3A_20 = arith.constant 0 : index
    %swap3A_21 = vector.load %arg3[%swap3A, %swap3A_20] : memref<6400x128xf32, #tpu.memory_space<vmem>>, vector<6400x128xf32>
    tpu.vector_store %arg3[%swap3A, %swap3A_20], %mul3A_19 {strides = array<i32>} : memref<6400x128xf32, #tpu.memory_space<vmem>>, vector<6400x128xf32>,
    return
  }
  func.func @transform_0(%arg0: i32) -> (i32, i32) {
    %c0_i32 = arith.constant 0 : i32
    %c0_i32_0 = arith.constant 0 : i32
    return %arg0, %c0_i32 : i32, i32
  }
  func.func @transform_1(%arg0: i32) -> (i32, i32) {
    %c0_i32 = arith.constant 0 : i32
    %c0_i32_0 = arith.constant 0 : i32
    %c0_i32_1 = arith.constant 0 : i32
    return %c0_i32, %c0_i32_0 : i32, i32
  }
  func.func @transform_2(%arg0: i32) -> (i32, i32) {
    %c0_i32 = arith.constant 0 : i32
    %c0_i32_0 = arith.constant 0 : i32
    return %arg0, %c0_i32 : i32, i32
  }
}

</mosaic_0001>

<sc_bundles>
// kernel: kernel.19.cloned.1.call-start
scs
__scs_entry_jumppad:
0x0: {  	(pc) =	sbr.rel $0x88, $3  }
0x1: {  	(tag) =	ssettag $0x0;
	lr =	simm.s32 $0x1  }
0x2: {  	[smem:$0x3F9F] =	sst lr;
	_ =	strace $0xD0000000  }
0x3: {  	_ = 	snop  }
0x4: {  	_ = 	snop  }
0x5: {  	_ = 	snop  }
0x6: {  	_ = 	snop  }
0x7: {  	_ = 	snop  }
__scs_overlays_trampoline_lowered:
0x8: {  	[smem:$0x3FAE] =	sst s0  }
0x9: {  	[smem:$0x3FAF] =	sst s1  }
0xa: {  	[smem:$0x3FB0] =	sst s2  }
0xb: {  	[smem:$0x3FB1] =	sst s3  }
0xc: {  	[smem:$0x3FB2] =	sst s4  }
0xd: {  	[smem:$0x3FB3] =	sst s5  }
0xe: {  	[smem:$0x3FB4] =	sst s6  }
0xf: {  	[smem:$0x3FB5] =	sst s7  }
0x10: {  	[smem:$0x3FB6] =	sst s8  }
0x11: {  	[smem:$0x3FB7] =	sst s9;
	s0 =	simm.s32 @!p0 $0x0  }
0x12: {  	s1 =	sld [smem:$0x3F9D];
	s0 =	simm.s32 @p0 $0x1  }
0x13: {  	[smem:$0x3FB8] =	sst s0;
	s0 =	simm.s32 @!p1 $0x0  }
0x14: {  	s2 =	sld [smem:$0x3F9C];
	s0 =	simm.s32 @p1 $0x1  }
0x15: {  	[smem:$0x3FB9] =	sst s0;
	s0 =	simm.s32 @!p2 $0x0  }
0x16: {  	s3 =	sld [smem:$0x3FDB];
	s0 =	simm.s32 @p2 $0x1  }
0x17: {  	s4 =	simm.s32 $0x1BF5;
	[smem:$0x3FBB] =	sst s0  }
0x18: {  	s0 =	sld [smem:$0x3F9E];
	_ =	swait.ge [sflag:s4], $0x0  }
0x19: {  	s7 =	sld [smem:$0x3F9F]  }
0x1a: {  	s8 =	sadd.s32 $0xFFFFE003, lr  }
0x1b: {  	s9 =	sadd.s32 $0xFFFFFEF7, lr;
	s5 =	simm.s32 $0xFFFFFFFF;
	p2 =	slt.u32 s8, $0xFFFFF086  }
0x1c: {  	p1 =	slt.u32 s9, $0xF7A;
	s5 =	simm.s32 @!p2 $0x0  }
0x1d: {  	s5 =	simm.s32 @p1 $0x1;
	p0 =	seq.s32 s7, s2  }
0x1e: {  	s7 =	smul.u32 @!p0 $0xF7A, s2;
	p2 =	seq.s32 @!p0 s5, $0x0  }
0x1f: {  	s9 =	smul.u32 $0xF7A, s1;
	s8 =	simm.s32 @!p0 $0x1BF5;
	p2 =	por !p2, p0  }
0x20: {  	[sflag:s8] =	ssyncset.s32 @!p0 $0xFFFFF086;
	s6 =	sadd.s32 @!p0 s3, s7;
	s7 =	simm.s32 @!p0 $0x108  }
0x21: {  	s3 =	sadd.s32 s3, s9;
	s6 =	sadd.s32 @!p0 $0x88, s6;
	s7 =	simm.s32 @p2 $0x1082  }
0x22: {  	[simem:s7], [sflag:s8] =	dma.local @!p0 [hbm:s6], $0xF7A  }
0x23: {  	s9 =	sor.u32 $0xD0000000, s2;
	s6 =	simm.s32 $0x108;
	_ =	swait.ge @!p0 [sflag:s8], $0x0  }
0x24: {  	s3 =	sadd.s32 $0x88, s3;
	s6 =	simm.s32 @!p1 $0x1082;
	[sflag:s4] =	ssyncset.s32 $0xFFFFF086  }
0x25: {  	[simem:s6], [sflag:s4] =	dma.local [hbm:s3], $0xF7A  }
0x26: {  	[smem:$0x3F9F] =	sst s1;
	(tag) =	ssettag s2;
	_ =	strace s9  }
0x27: {  	s1 =	sld [smem:$0x3FAF]  }
0x28: {  	s2 =	sld [smem:$0x3FB0]  }
0x29: {  	s4 =	sld [smem:$0x3FB2]  }
0x2a: {  	p0 =	seq.s32 s5, $0x0;
	s5 =	sld [smem:$0x3FB3]  }
0x2b: {  	s6 =	sld [smem:$0x3FB4]  }
0x2c: {  	s7 =	sld [smem:$0x3FB5]  }
0x2d: {  	s3 =	simm.s32 $0x108;
	s8 =	sld [smem:$0x3FB6]  }
0x2e: {  	s3 =	simm.s32 @!p0 $0x1082;
	s9 =	sld [smem:$0x3FB7]  }
0x2f: {  	lr =	sadd.s32 s0, s3;
	s0 =	sld [smem:$0x3FAE]  }
0x30: {  	s3 =	sld [smem:$0x3FB1]  }
0x31: {  	[smem:$0x3FBA] =	sst s10  }
0x32: {  	s10 =	sld [smem:$0x3FB8];
	_ =	sdelay $0x3  }
0x33: {  	p0 =	seq.s32 s10, $0x1;
	s10 =	sld [smem:$0x3FBA];
	_ =	sdelay $0x3  }
0x34: {  	[smem:$0x3FBA] =	sst s10  }
0x35: {  	s10 =	sld [smem:$0x3FB9];
	_ =	sdelay $0x3  }
0x36: {  	p1 =	seq.s32 s10, $0x1;
	s10 =	sld [smem:$0x3FBA];
	_ =	sdelay $0x3  }
0x37: {  	[smem:$0x3FBA] =	sst s10  }
0x38: {  	s10 =	sld [smem:$0x3FBB]  }
0x39: {  	_ = 	snop;
	(pc) =	sbr.ind lr, $3  }
0x3a: {  	_ = 	snop  }
0x3b: {  	_ = 	snop  }
0x3c: {  	p2 =	seq.s32 s10, $0x1;
	s10 =	sld [smem:$0x3FBA]  }
0x3d: {  	_ =	shalt  }
0x3e: {  	_ =	shalt  }
0x3f: {  	_ =	shalt  }
0x40: {  	_ =	shalt  }
0x41: {  	_ =	shalt  }
0x42: {  	_ =	shalt  }
0x43: {  	_ =	shalt  }
0x44: {  	_ =	shalt  }
0x45: {  	_ =	shalt  }
0x46: {  	_ =	shalt  }
0x47: {  	_ =	shalt  }
0x48: {  	_ =	shalt  }
0x49: {  	_ =	shalt  }
0x4a: {  	_ =	shalt  }
0x4b: {  	_ =	shalt  }
0x4c: {  	_ =	shalt  }
0x4d: {  	_ =	shalt  }
0x4e: {  	_ =	shalt  }
0x4f: {  	_ =	shalt  }
0x50: {  	_ =	shalt  }
0x51: {  	_ =	shalt  }
0x52: {  	_ =	shalt  }
0x53: {  	_ =	shalt  }
0x54: {  	_ =	shalt  }
0x55: {  	_ =	shalt  }
0x56: {  	_ =	shalt  }
0x57: {  	_ =	shalt  }
0x58: {  	_ =	shalt  }
0x59: {  	_ =	shalt  }
0x5a: {  	_ =	shalt  }
0x5b: {  	_ =	shalt  }
0x5c: {  	_ =	shalt  }
0x5d: {  	_ =	shalt  }
0x5e: {  	_ =	shalt  }
0x5f: {  	_ =	shalt  }
0x60: {  	_ =	shalt  }
0x61: {  	_ =	shalt  }
0x62: {  	_ =	shalt  }
0x63: {  	_ =	shalt  }
0x64: {  	_ =	shalt  }
0x65: {  	_ =	shalt  }
0x66: {  	_ =	shalt  }
0x67: {  	_ =	shalt  }
0x68: {  	_ =	shalt  }
0x69: {  	_ =	shalt  }
0x6a: {  	_ =	shalt  }
0x6b: {  	_ =	shalt  }
0x6c: {  	_ =	shalt  }
0x6d: {  	_ =	shalt  }
0x6e: {  	_ =	shalt  }
0x6f: {  	_ =	shalt  }
0x70: {  	_ =	shalt  }
0x71: {  	_ =	shalt  }
0x72: {  	_ =	shalt  }
0x73: {  	_ =	shalt  }
0x74: {  	_ =	shalt  }
0x75: {  	_ =	shalt  }
0x76: {  	_ =	shalt  }
0x77: {  	_ =	shalt  }
0x78: {  	_ =	shalt  }
0x79: {  	_ =	shalt  }
0x7a: {  	_ =	shalt  }
0x7b: {  	_ =	shalt  }
0x7c: {  	_ =	shalt  }
0x7d: {  	_ =	shalt  }
0x7e: {  	_ =	shalt  }
0x7f: {  	_ =	shalt  }
0x80: {  	_ =	shalt  }
0x81: {  	_ =	shalt  }
0x82: {  	_ =	shalt  }
0x83: {  	_ =	shalt  }
0x84: {  	_ =	shalt  }
0x85: {  	_ =	shalt  }
0x86: {  	_ =	shalt  }
0x87: {  	_ =	shalt  }
.Lfunc_end0:
.L_simem_size_0:
called_computation_lowered:
.L_overlay_start_0:
0x88: {  	s2 =	sld [smem:$0x3FD9]  }
0x89: {  	s3 =	sld [smem:$0x3FFE];
	_ =	sdelay $0x1  }
0x8a: {  	s1 =	srdreg.scid  }
0x8b: {  	s0 =	sand.u32 $0x1, s1  }
0x8c: {  	s17 =	sshll.u32 s0, $0xA;
	s2 =	sadd.s32 s3, s2  }
0x8d: {  	s2 =	sadd.s32 s2, s17  }
0x8e: {  	[smem:$0x3FC6] =	sst s2  }
0x8f: {  	_ = 	snop  }
0x90: {  	s18 =	sld [smem:$0x3FD0];
	(tm) =	ssettm $0x1  }
0x91: {  	s19 =	sld [smem:$0x3FFB];
	_ =	sdelay $0x3  }
0x92: {  	_ =	strace s19  }
0x93: {  	s2 =	sld [smem:$0x3FFC];
	_ =	sdelay $0x3  }
0x94: {  	_ =	strace s2  }
0x95: {  	s2 =	sld [smem:$0x3FFD];
	_ =	sdelay $0x3  }
0x96: {  	_ =	strace s2  }
0x97: {  	_ =	strace $0x8FFFFFFF  }
0x98: {  	s20 =	sld [smem:$0x3FDB];
	_ =	sdelay $0x1  }
0x99: {  	s4 =	simm.s32 $_scs_section_size  }
0x9a: {  	s5 =	simm.s32 $_size__tile_overlayer_lowered;
	s6 =	simm.s32 $_tile_overlayer_lowered  }
0x9b: {  	s7 =	simm.s32 $0x1BFF;
	s21 =	sshll.u32 s6, $0x1;
	s4 =	sadd.s32 s4, s20  }
0x9c: {  	s22 =	simm.s32 $0x0;
	s5 =	sshll.u32 s5, $0x1;
	s6 =	sadd.s32 s21, s4  }
0x9d: {  	[timem:s22], [sflag:s7] =	dma.local [hbm:s6], s5  }
0x9e: {  	_ =	swait.ge [sflag:s7], s5  }
0x9f: {  	s5 =	ssub.s32 $0x0, s5;
	[sflag:s7] =	ssyncset.done $0x0  }
0xa0: {  	[sflag:s7] =	ssyncadd.s32 s5;
	_ =	sdelay $0x1  }
0xa1: {  	s23 =	simm.s32 $0x1B8B  }
0xa2: {  	_ =	swait.ge [sflag:s23], $0x1  }
0xa3: {  	[sflag:s23] =	ssyncset.done $0x0  }
0xa4: {  	[sflag:s23] =	ssyncadd.s32 $0xFFFFFFFF  }
0xa5: {  	s5 =	sld [smem:$0x0]  }
0xa6: {  	s6 =	sand.u32 $0xFFFFFFFE, s1  }
0xa7: {  	p0 =	sne.s32 s1, s6  }
0xa8: {  	s6 =	sshll.u32 @p0 s6, $0xE  }
0xa9: {  	s6 =	sadd.s32 @p0 $0x11B8D, s6;
	s7 =	sshll.u32 @p0 s5, $0x11  }
0xaa: {  	s6 =	sor.u32 @p0 s7, s6  }
0xab: {  	[sflag:s6] =	ssyncadd.remote.s32 @p0 $0x1;
	_ =	sdelay $0x1  }
0xac: {  	s6 =	simm.s32 @p0 $0x1B8D  }
0xad: {  	_ =	swait.eq @p0 [sflag:s6], $0x1  }
0xae: {  	[sflag:s6] =	ssyncadd.s32 @p0 $0xFFFFFFFF  }
0xaf: {  	s7 =	sshll.u32 @!p0 s1, $0xE  }
0xb0: {  	s7 =	sor.u32 @!p0 $0x4000, s7;
	s6 =	simm.s32 @!p0 $0x1B8D  }
0xb1: {  	s5 =	sshll.u32 @!p0 s5, $0x11;
	s7 =	sadd.s32 @!p0 $0x11B8D, s7;
	_ =	swait.eq @!p0 [sflag:s6], $0x1  }
0xb2: {  	s5 =	sor.u32 @!p0 s5, s7;
	[sflag:s6] =	ssyncadd.s32 @!p0 $0xFFFFFFFF  }
0xb3: {  	s25 =	simm.s32 $0x1B8E;
	s24 =	sld [smem:$0x3FFE];
	[sflag:s5] =	ssyncadd.remote.s32 @!p0 $0x1  }
0xb4: {  	s26 =	simm.s32 $execute0_lowered;
	[smem:$0x3FD2] =	sst s25  }
0xb5: {  	s6 =	sshll.u32 s26, $0x1;
	_ =	strace $0x8000005B;
	[dreg:$0x1] =	wrdreg $0xFFFFFFFF  }
0xb6: {  	s28 =	simm.s32 $_size_execute0_lowered;
	s4 =	sadd.s32 s4, s6;
	[dreg:$0x0] =	wrdreg $0x0  }
0xb7: {  	s6 =	sshll.u32 s28, $0x1;
	[dreg:$0x2] =	wrdreg s4  }
0xb8: {  	[dreg:$0x3] =	wrdreg s6  }
0xb9: {  	[dreg:$0x4] =	wrdreg $0xC0  }
0xba: {  	_ =	task [dreg:s22], $0x5FFFF  }
0xbb: {  	[dreg:$0x1] =	wrdreg $0xFFFFFFFF  }
0xbc: {  	[dreg:$0x0] =	wrdreg $0x60  }
0xbd: {  	[dreg:$0x2] =	wrdreg s24  }
0xbe: {  	[dreg:$0x3] =	wrdreg s18  }
0xbf: {  	[dreg:$0x4] =	wrdreg $0x9  }
0xc0: {  	_ =	task.clear_ibuf [dreg:s22], $0x5FFFF;
	_ =	strace $0x9000005B  }
0xc1: {  	s29 =	simm.s32 $0x9;
	_ =	strace $0x8000005D  }
0xc2: {  	_ =	swait.ge [sflag:s29], $0x1  }
0xc3: {  	[sflag:s29] =	ssyncadd.s32 $0xFFFFFFFF  }
0xc4: {  	_ =	strace $0x9000005D  }
0xc5: {  	_ =	sfence  }
0xc6: {  	s30 =	sld [smem:$0x0];
	_ =	sdelay $0x2  }
0xc7: {  	s31 =	sshll.u32 s1, $0xD;
	s1 =	sshrl.u32 s1, $0x2  }
0xc8: {  	s4 =	sand.u32 $0x4000, s31;
	s1 =	sadd.s32 s1, s30  }
0xc9: {  	s0 =	sor.u32 s4, s0;
	s1 =	sshll.u32 s1, $0x11  }
0xca: {  	s0 =	sor.u32 s1, s0  }
0xcb: {  	s0 =	sadd.s32 $0x8F2B, s0  }
0xcc: {  	[sflag:s0] =	ssyncadd.remote.s32 $0x1  }
0xcd: {  	_ =	sfence.sel $0xFFFF  }
0xce: {  	[dreg:$0x0] =	wrdreg $0xFFFFFFFF;
	(pc) =	sbr.abs _section_cstart, $3  }
0xcf: {  	[dreg:$0x1] =	wrdreg $0xFFFFFFFF  }
0xd0: {  	_ =	task.clear_ibuf [dreg:s22], $0x2FFFF;
	_ =	strace $0x9FFFFFFF  }
0xd1: {  	(tm) =	ssettm $0x7FFFFFFF  }
tec
execute0_lowered:
.L_overlay_start_1:
0x0: {  	(tag) =	ssettag $0x1  }
0x1: {  	s1 =	srdreg.scid;
	s0 =	stileid.u32  }
0x2: {  	s6 =	sand.u32 $0x1, s1;
	s30 =	sshll.u32 s0, $0x1  }
0x3: {  	s5 =	rddreg [dreg:$0x0];
	s8 =	sor.u32 s6, s30  }
0x4: {  	s9 =	rddreg [dreg:$0x1];
	s2 =	simm.s32 $0x0;
	s3 =	smul.u32 $0x190, s8  }
0x5: {  	[smem:$0x7FF] =	sst s2  }
0x6: {  	s1 =	rddreg [dreg:$0x2];
	_ =	strace $0x8000005C;
	s3 =	sadd.s32 s3, s5  }
0x7: {  	s10 =	ssub.s32 $0x2, s6;
	s4 =	sadd.s32 $0x21A00, s3;
	s3 =	simm.s32 $0x2  }
0x8: {  	[tilespmem:s2], [sflag:$0x2] =	stream.linear.gather [hbm4b:s4+s2], $0xC80, $0x38;
	[tilespmem:$0x19C80] =	vst v63  }
0x9: {  	s7 =	simm.s32 $0x1;
	s11 =	sshrl.u32 s10, $0x1;
	_ =	swait.ge [sflag:s3], $0xC80  }
0xa: {  	s6 =	simm.s32 $0xC80;
	s10 =	ssub.s32 s10, s11;
	[sflag:s3] =	ssyncset.done $0x0  }
0xb: {  	s5 =	sadd.s32 $0x2D200, s5;
	s31 =	smax.u32 s10, $0x1;
	[sflag:s3] =	ssyncadd.s32 $0xFFFFF380  }
0xc: {  	[tilespmem:s6], [sflag:$0x1] =	stream.indirect.gather [hbm4b:s5+s6], $0x20, s2, s6, $0xb8;
	[tilespmem:$0x19C80] =	vst v63  }
0xd: {  	s8 =	smul.u32 $0x3200, s8;
	p0 =	sne.s32 s31, $0x1;
	_ =	swait.ge [sflag:s7], $0x19000  }
.Ltmp0:
0xe: {  	[sflag:s7] =	ssyncset.done $0x0;
	(pc) =	sbr.rel @!p0 .LBB2_2-.Ltmp0, $4  }
0xf: {  	s8 =	sadd.s32 s9, s8;
	[sflag:s7] =	ssyncadd.s32 $0xFFFE7000  }
0x10: {  	[hbm4b:s8+s2] =	stream.linear.scatter [tilespmem:s6], [sflag:$0x2], $0x19000, $0x38;
	[tilespmem:$0x19C80] =	vst v63  }
0x11: {  	_ =	swait.ge [sflag:s3], $0x19000  }
0x12: {  	s9 =	sadd.s32 $0xFFFFFFFF, s31;
	[sflag:s3] =	ssyncset.done $0x0  }
.LBB2_1:
0x13: {  	p0 =	sne.s32 s9, $0x1;
	s9 =	sadd.s32 $0xFFFFFFFF, s9;
	[sflag:s3] =	ssyncadd.s32 $0xFFFE7000  }
0x14: {  	[tilespmem:s2], [sflag:$0x2] =	stream.linear.gather [hbm4b:s4+s2], $0xC80, $0x38;
	[tilespmem:$0x19C80] =	vst v63  }
0x15: {  	_ =	swait.ge [sflag:s3], $0xC80  }
0x16: {  	[sflag:s3] =	ssyncset.done $0x0  }
0x17: {  	[sflag:s3] =	ssyncadd.s32 $0xFFFFF380  }
0x18: {  	[tilespmem:s6], [sflag:$0x1] =	stream.indirect.gather [hbm4b:s5+s6], $0x20, s2, s6, $0xb8;
	[tilespmem:$0x19C80] =	vst v63  }
0x19: {  	_ =	swait.ge [sflag:s7], $0x19000  }
.Ltmp1:
0x1a: {  	[sflag:s7] =	ssyncset.done $0x0;
	(pc) =	sbr.rel @p0 .LBB2_1-.Ltmp1, $4  }
0x1b: {  	[sflag:s7] =	ssyncadd.s32 $0xFFFE7000  }
0x1c: {  	[hbm4b:s8+s2] =	stream.linear.scatter [tilespmem:s6], [sflag:$0x2], $0x19000, $0x38;
	[tilespmem:$0x19C80] =	vst v63  }
0x1d: {  	_ =	swait.ge [sflag:s3], $0x19000  }
0x1e: {  	[sflag:s3] =	ssyncset.done $0x0  }
.LBB2_2:
0x1f: {  	[sflag:s3] =	ssyncadd.s32 $0xFFFE7000  }
0x20: {  	_ =	sfence.sel $0x180000  }
0x21: {  	[bflag:$0x0] =	sbarrier.arrive $0xFFFF  }
0x22: {  	p0 =	sne.s32 s0, $0x0;
	_ =	strace $0x9000005C  }
0x23: {  	s0 =	sadd.s32 @!p0 $0x100000, s1;
	[bflag:$0x2] =	sbarrier.arrive $0xFFFF  }
0x24: {  	[sflag:s0] =	ssyncadd.tile.s32 @!p0 $0x1;
	_ =	shalt  }
.Lfunc_end2:
_tile_overlayer_lowered:
.L_overlay_start_2:
0x25: {  	(tag) =	ssettag $0x2  }
0x26: {  	s0 =	rddreg [dreg:$0x0];
	s2 =	stileid.u32  }
0x27: {  	s1 =	rddreg [dreg:$0x1];
	p0 =	sne.s32 s2, $0x0  }
0x28: {  	s3 =	rddreg [dreg:$0x2];
	[bflag:$0x3] =	sbarrier.arrive $0xFFFF;
	s2 =	simm.s32 @!p0 $0x1C02  }
0x29: {  	[timem:s3], [sflag:s2] =	dma.local @!p0 [hbm:s0], s1  }
0x2a: {  	s0 =	simm.s32 @!p0 $0x2  }
0x2b: {  	_ =	swait.ge @!p0 [sflag:s0], s1  }
0x2c: {  	s1 =	ssub.s32 @!p0 $0x0, s1;
	[sflag:s0] =	ssyncset.done @!p0 $0x0  }
0x2d: {  	[sflag:s0] =	ssyncadd.s32 @!p0 s1  }
0x2e: {  	[bflag:$0x3] =	sbarrier.arrive $0xFFFF  }
0x2f: {  	_ =	shalt  }

// kernel: kernel.22.cloned.1.call-start
scs
__scs_entry_jumppad:
0x0: {  	(pc) =	sbr.rel $0x88, $3  }
0x1: {  	(tag) =	ssettag $0x0;
	lr =	simm.s32 $0x1  }
0x2: {  	[smem:$0x3F9F] =	sst lr;
	_ =	strace $0xD0000000  }
0x3: {  	_ = 	snop  }
0x4: {  	_ = 	snop  }
0x5: {  	_ = 	snop  }
0x6: {  	_ = 	snop  }
0x7: {  	_ = 	snop  }
__scs_overlays_trampoline_lowered:
0x8: {  	[smem:$0x3FAE] =	sst s0  }
0x9: {  	[smem:$0x3FAF] =	sst s1  }
0xa: {  	[smem:$0x3FB0] =	sst s2  }
0xb: {  	[smem:$0x3FB1] =	sst s3  }
0xc: {  	[smem:$0x3FB2] =	sst s4  }
0xd: {  	[smem:$0x3FB3] =	sst s5  }
0xe: {  	[smem:$0x3FB4] =	sst s6  }
0xf: {  	[smem:$0x3FB5] =	sst s7  }
0x10: {  	[smem:$0x3FB6] =	sst s8  }
0x11: {  	[smem:$0x3FB7] =	sst s9;
	s0 =	simm.s32 @!p0 $0x0  }
0x12: {  	s1 =	sld [smem:$0x3F9D];
	s0 =	simm.s32 @p0 $0x1  }
0x13: {  	[smem:$0x3FB8] =	sst s0;
	s0 =	simm.s32 @!p1 $0x0  }
0x14: {  	s2 =	sld [smem:$0x3F9C];
	s0 =	simm.s32 @p1 $0x1  }
0x15: {  	[smem:$0x3FB9] =	sst s0;
	s0 =	simm.s32 @!p2 $0x0  }
0x16: {  	s3 =	sld [smem:$0x3FDB];
	s0 =	simm.s32 @p2 $0x1  }
0x17: {  	s4 =	simm.s32 $0x1BF5;
	[smem:$0x3FBB] =	sst s0  }
0x18: {  	s0 =	sld [smem:$0x3F9E];
	_ =	swait.ge [sflag:s4], $0x0  }
0x19: {  	s7 =	sld [smem:$0x3F9F]  }
0x1a: {  	s8 =	sadd.s32 $0xFFFFE003, lr  }
0x1b: {  	s9 =	sadd.s32 $0xFFFFFEF7, lr;
	s5 =	simm.s32 $0xFFFFFFFF;
	p2 =	slt.u32 s8, $0xFFFFF086  }
0x1c: {  	p1 =	slt.u32 s9, $0xF7A;
	s5 =	simm.s32 @!p2 $0x0  }
0x1d: {  	s5 =	simm.s32 @p1 $0x1;
	p0 =	seq.s32 s7, s2  }
0x1e: {  	s7 =	smul.u32 @!p0 $0xF7A, s2;
	p2 =	seq.s32 @!p0 s5, $0x0  }
0x1f: {  	s9 =	smul.u32 $0xF7A, s1;
	s8 =	simm.s32 @!p0 $0x1BF5;
	p2 =	por !p2, p0  }
0x20: {  	[sflag:s8] =	ssyncset.s32 @!p0 $0xFFFFF086;
	s6 =	sadd.s32 @!p0 s3, s7;
	s7 =	simm.s32 @!p0 $0x108  }
0x21: {  	s3 =	sadd.s32 s3, s9;
	s6 =	sadd.s32 @!p0 $0x88, s6;
	s7 =	simm.s32 @p2 $0x1082  }
0x22: {  	[simem:s7], [sflag:s8] =	dma.local @!p0 [hbm:s6], $0xF7A  }
0x23: {  	s9 =	sor.u32 $0xD0000000, s2;
	s6 =	simm.s32 $0x108;
	_ =	swait.ge @!p0 [sflag:s8], $0x0  }
0x24: {  	s3 =	sadd.s32 $0x88, s3;
	s6 =	simm.s32 @!p1 $0x1082;
	[sflag:s4] =	ssyncset.s32 $0xFFFFF086  }
0x25: {  	[simem:s6], [sflag:s4] =	dma.local [hbm:s3], $0xF7A  }
0x26: {  	[smem:$0x3F9F] =	sst s1;
	(tag) =	ssettag s2;
	_ =	strace s9  }
0x27: {  	s1 =	sld [smem:$0x3FAF]  }
0x28: {  	s2 =	sld [smem:$0x3FB0]  }
0x29: {  	s4 =	sld [smem:$0x3FB2]  }
0x2a: {  	p0 =	seq.s32 s5, $0x0;
	s5 =	sld [smem:$0x3FB3]  }
0x2b: {  	s6 =	sld [smem:$0x3FB4]  }
0x2c: {  	s7 =	sld [smem:$0x3FB5]  }
0x2d: {  	s3 =	simm.s32 $0x108;
	s8 =	sld [smem:$0x3FB6]  }
0x2e: {  	s3 =	simm.s32 @!p0 $0x1082;
	s9 =	sld [smem:$0x3FB7]  }
0x2f: {  	lr =	sadd.s32 s0, s3;
	s0 =	sld [smem:$0x3FAE]  }
0x30: {  	s3 =	sld [smem:$0x3FB1]  }
0x31: {  	[smem:$0x3FBA] =	sst s10  }
0x32: {  	s10 =	sld [smem:$0x3FB8];
	_ =	sdelay $0x3  }
0x33: {  	p0 =	seq.s32 s10, $0x1;
	s10 =	sld [smem:$0x3FBA];
	_ =	sdelay $0x3  }
0x34: {  	[smem:$0x3FBA] =	sst s10  }
0x35: {  	s10 =	sld [smem:$0x3FB9];
	_ =	sdelay $0x3  }
0x36: {  	p1 =	seq.s32 s10, $0x1;
	s10 =	sld [smem:$0x3FBA];
	_ =	sdelay $0x3  }
0x37: {  	[smem:$0x3FBA] =	sst s10  }
0x38: {  	s10 =	sld [smem:$0x3FBB]  }
0x39: {  	_ = 	snop;
	(pc) =	sbr.ind lr, $3  }
0x3a: {  	_ = 	snop  }
0x3b: {  	_ = 	snop  }
0x3c: {  	p2 =	seq.s32 s10, $0x1;
	s10 =	sld [smem:$0x3FBA]  }
0x3d: {  	_ =	shalt  }
0x3e: {  	_ =	shalt  }
0x3f: {  	_ =	shalt  }
0x40: {  	_ =	shalt  }
0x41: {  	_ =	shalt  }
0x42: {  	_ =	shalt  }
0x43: {  	_ =	shalt  }
0x44: {  	_ =	shalt  }
0x45: {  	_ =	shalt  }
0x46: {  	_ =	shalt  }
0x47: {  	_ =	shalt  }
0x48: {  	_ =	shalt  }
0x49: {  	_ =	shalt  }
0x4a: {  	_ =	shalt  }
0x4b: {  	_ =	shalt  }
0x4c: {  	_ =	shalt  }
0x4d: {  	_ =	shalt  }
0x4e: {  	_ =	shalt  }
0x4f: {  	_ =	shalt  }
0x50: {  	_ =	shalt  }
0x51: {  	_ =	shalt  }
0x52: {  	_ =	shalt  }
0x53: {  	_ =	shalt  }
0x54: {  	_ =	shalt  }
0x55: {  	_ =	shalt  }
0x56: {  	_ =	shalt  }
0x57: {  	_ =	shalt  }
0x58: {  	_ =	shalt  }
0x59: {  	_ =	shalt  }
0x5a: {  	_ =	shalt  }
0x5b: {  	_ =	shalt  }
0x5c: {  	_ =	shalt  }
0x5d: {  	_ =	shalt  }
0x5e: {  	_ =	shalt  }
0x5f: {  	_ =	shalt  }
0x60: {  	_ =	shalt  }
0x61: {  	_ =	shalt  }
0x62: {  	_ =	shalt  }
0x63: {  	_ =	shalt  }
0x64: {  	_ =	shalt  }
0x65: {  	_ =	shalt  }
0x66: {  	_ =	shalt  }
0x67: {  	_ =	shalt  }
0x68: {  	_ =	shalt  }
0x69: {  	_ =	shalt  }
0x6a: {  	_ =	shalt  }
0x6b: {  	_ =	shalt  }
0x6c: {  	_ =	shalt  }
0x6d: {  	_ =	shalt  }
0x6e: {  	_ =	shalt  }
0x6f: {  	_ =	shalt  }
0x70: {  	_ =	shalt  }
0x71: {  	_ =	shalt  }
0x72: {  	_ =	shalt  }
0x73: {  	_ =	shalt  }
0x74: {  	_ =	shalt  }
0x75: {  	_ =	shalt  }
0x76: {  	_ =	shalt  }
0x77: {  	_ =	shalt  }
0x78: {  	_ =	shalt  }
0x79: {  	_ =	shalt  }
0x7a: {  	_ =	shalt  }
0x7b: {  	_ =	shalt  }
0x7c: {  	_ =	shalt  }
0x7d: {  	_ =	shalt  }
0x7e: {  	_ =	shalt  }
0x7f: {  	_ =	shalt  }
0x80: {  	_ =	shalt  }
0x81: {  	_ =	shalt  }
0x82: {  	_ =	shalt  }
0x83: {  	_ =	shalt  }
0x84: {  	_ =	shalt  }
0x85: {  	_ =	shalt  }
0x86: {  	_ =	shalt  }
0x87: {  	_ =	shalt  }
.Lfunc_end0:
.L_simem_size_0:
called_computation.1_lowered:
.L_overlay_start_0:
0x88: {  	s2 =	sld [smem:$0x3FD9]  }
0x89: {  	s3 =	sld [smem:$0x3FFE];
	_ =	sdelay $0x1  }
0x8a: {  	s1 =	srdreg.scid  }
0x8b: {  	s0 =	sand.u32 $0x1, s1  }
0x8c: {  	s17 =	sshll.u32 s0, $0xA;
	s2 =	sadd.s32 s3, s2  }
0x8d: {  	s2 =	sadd.s32 s2, s17  }
0x8e: {  	[smem:$0x3FC6] =	sst s2  }
0x8f: {  	_ = 	snop  }
0x90: {  	(tm) =	ssettm $0x1  }
0x91: {  	s18 =	sld [smem:$0x3FFB];
	_ =	sdelay $0x3  }
0x92: {  	_ =	strace s18  }
0x93: {  	s2 =	sld [smem:$0x3FFC];
	_ =	sdelay $0x3  }
0x94: {  	_ =	strace s2  }
0x95: {  	s2 =	sld [smem:$0x3FFD];
	_ =	sdelay $0x3  }
0x96: {  	_ =	strace s2  }
0x97: {  	_ =	strace $0x8FFFFFFF  }
0x98: {  	s19 =	sld [smem:$0x3FDB];
	_ =	sdelay $0x1  }
0x99: {  	s20 =	simm.s32 $_scs_section_size  }
0x9a: {  	s4 =	simm.s32 $_size__tile_overlayer_lowered;
	s5 =	simm.s32 $_tile_overlayer_lowered  }
0x9b: {  	s6 =	simm.s32 $0x1BFF;
	s21 =	sshll.u32 s5, $0x1;
	s3 =	sadd.s32 s20, s19  }
0x9c: {  	s22 =	simm.s32 $0x0;
	s4 =	sshll.u32 s4, $0x1;
	s5 =	sadd.s32 s21, s3  }
0x9d: {  	[timem:s22], [sflag:s6] =	dma.local [hbm:s5], s4  }
0x9e: {  	_ =	swait.ge [sflag:s6], s4  }
0x9f: {  	s4 =	ssub.s32 $0x0, s4;
	[sflag:s6] =	ssyncset.done $0x0  }
0xa0: {  	[sflag:s6] =	ssyncadd.s32 s4;
	_ =	sdelay $0x1  }
0xa1: {  	s23 =	simm.s32 $0x1B8B  }
0xa2: {  	_ =	swait.ge [sflag:s23], $0x1  }
0xa3: {  	[sflag:s23] =	ssyncset.done $0x0  }
0xa4: {  	[sflag:s23] =	ssyncadd.s32 $0xFFFFFFFF  }
0xa5: {  	s4 =	sld [smem:$0x0]  }
0xa6: {  	s5 =	sand.u32 $0xFFFFFFFE, s1  }
0xa7: {  	p0 =	sne.s32 s1, s5  }
0xa8: {  	s5 =	sshll.u32 @p0 s5, $0xE  }
0xa9: {  	s5 =	sadd.s32 @p0 $0x11B8D, s5;
	s6 =	sshll.u32 @p0 s4, $0x11  }
0xaa: {  	s5 =	sor.u32 @p0 s6, s5  }
0xab: {  	[sflag:s5] =	ssyncadd.remote.s32 @p0 $0x1;
	_ =	sdelay $0x1  }
0xac: {  	s5 =	simm.s32 @p0 $0x1B8D  }
0xad: {  	_ =	swait.eq @p0 [sflag:s5], $0x1  }
0xae: {  	[sflag:s5] =	ssyncadd.s32 @p0 $0xFFFFFFFF  }
0xaf: {  	s6 =	sshll.u32 @!p0 s1, $0xE  }
0xb0: {  	s6 =	sor.u32 @!p0 $0x4000, s6;
	s5 =	simm.s32 @!p0 $0x1B8D  }
0xb1: {  	s4 =	sshll.u32 @!p0 s4, $0x11;
	s6 =	sadd.s32 @!p0 $0x11B8D, s6;
	_ =	swait.eq @!p0 [sflag:s5], $0x1  }
0xb2: {  	s4 =	sor.u32 @!p0 s4, s6;
	[sflag:s5] =	ssyncadd.s32 @!p0 $0xFFFFFFFF  }
0xb3: {  	s25 =	simm.s32 $0x1B8E;
	s24 =	sld [smem:$0x3FFE];
	[sflag:s4] =	ssyncadd.remote.s32 @!p0 $0x1  }
0xb4: {  	s26 =	simm.s32 $execute0_lowered;
	[smem:$0x3FD2] =	sst s25  }
0xb5: {  	s5 =	sshll.u32 s26, $0x1;
	_ =	strace $0x80000058;
	[dreg:$0x1] =	wrdreg $0xFFFFFFFF  }
0xb6: {  	s28 =	simm.s32 $_size_execute0_lowered;
	s3 =	sadd.s32 s3, s5;
	[dreg:$0x0] =	wrdreg $0x0  }
0xb7: {  	s5 =	sshll.u32 s28, $0x1;
	[dreg:$0x2] =	wrdreg s3  }
0xb8: {  	[dreg:$0x3] =	wrdreg s5  }
0xb9: {  	[dreg:$0x4] =	wrdreg $0xC0  }
0xba: {  	_ =	task [dreg:s22], $0x5FFFF  }
0xbb: {  	[dreg:$0x1] =	wrdreg $0xFFFFFFFF  }
0xbc: {  	[dreg:$0x0] =	wrdreg $0x60  }
0xbd: {  	[dreg:$0x2] =	wrdreg s24  }
0xbe: {  	[dreg:$0x3] =	wrdreg $0xA  }
0xbf: {  	_ =	task.clear_ibuf [dreg:s22], $0x4FFFF;
	_ =	strace $0x90000058  }
0xc0: {  	s29 =	simm.s32 $0xA;
	_ =	strace $0x8000005A  }
0xc1: {  	_ =	swait.ge [sflag:s29], $0x1  }
0xc2: {  	[sflag:s29] =	ssyncadd.s32 $0xFFFFFFFF  }
0xc3: {  	_ =	strace $0x9000005A  }
0xc4: {  	_ =	sfence  }
0xc5: {  	s30 =	sld [smem:$0x0];
	_ =	sdelay $0x2  }
0xc6: {  	s31 =	sshll.u32 s1, $0xD;
	s1 =	sshrl.u32 s1, $0x2  }
0xc7: {  	s4 =	sand.u32 $0x4000, s31;
	s1 =	sadd.s32 s1, s30  }
0xc8: {  	s0 =	sor.u32 s4, s0;
	s1 =	sshll.u32 s1, $0x11  }
0xc9: {  	s0 =	sor.u32 s1, s0  }
0xca: {  	s0 =	sadd.s32 $0x8F2B, s0  }
0xcb: {  	[sflag:s0] =	ssyncadd.remote.s32 $0x1  }
0xcc: {  	_ =	sfence.sel $0xFFFF  }
0xcd: {  	[dreg:$0x0] =	wrdreg $0xFFFFFFFF;
	(pc) =	sbr.abs _section_cstart, $3  }
0xce: {  	[dreg:$0x1] =	wrdreg $0xFFFFFFFF  }
0xcf: {  	_ =	task.clear_ibuf [dreg:s22], $0x2FFFF;
	_ =	strace $0x9FFFFFFF  }
0xd0: {  	(tm) =	ssettm $0x7FFFFFFF  }
0xd1: {  	_ =	shalt  }
tec
execute0_lowered:
.L_overlay_start_1:
0x0: {  	(tag) =	ssettag $0x1  }
0x1: {  	s1 =	srdreg.scid;
	s0 =	stileid.u32  }
0x2: {  	s6 =	sand.u32 $0x1, s1;
	s30 =	sshll.u32 s0, $0x1  }
0x3: {  	s8 =	rddreg [dreg:$0x0];
	s7 =	sor.u32 s6, s30  }
0x4: {  	s2 =	simm.s32 $0x0;
	s1 =	rddreg [dreg:$0x1];
	s3 =	smul.u32 $0x190, s7  }
0x5: {  	[smem:$0x7FF] =	sst s2;
	s5 =	sadd.s32 $0x2D200, s8  }
0x6: {  	_ =	strace $0x80000059;
	s10 =	ssub.s32 $0x2, s6;
	s3 =	sadd.s32 s3, s8  }
0x7: {  	s6 =	simm.s32 $0xC80;
	s4 =	sadd.s32 $0x1E800, s3;
	s3 =	simm.s32 $0x2  }
0x8: {  	[tilespmem:s2], [sflag:$0x2] =	stream.linear.gather [hbm4b:s4+s2], $0xC80, $0x38;
	[tilespmem:$0x19C80] =	vst v63  }
0x9: {  	s9 =	smul.u32 $0x3200, s7;
	s11 =	sshrl.u32 s10, $0x1;
	_ =	swait.ge [sflag:s3], $0xC80  }
0xa: {  	s7 =	simm.s32 $0x1;
	s31 =	ssub.s32 s10, s11;
	[sflag:s3] =	ssyncset.done $0x0  }
0xb: {  	s8 =	sadd.s32 s9, s8;
	s9 =	smax.u32 s31, $0x1;
	[sflag:s3] =	ssyncadd.s32 $0xFFFFF380  }
0xc: {  	[tilespmem:s6], [sflag:$0x1] =	stream.indirect.gather [hbm4b:s5+s6], $0x20, s2, s6, $0xb8;
	[tilespmem:$0x19C80] =	vst v63  }
0xd: {  	p0 =	sne.s32 s9, $0x1;
	_ =	swait.ge [sflag:s7], $0x19000  }
.Ltmp0:
0xe: {  	[sflag:s7] =	ssyncset.done $0x0;
	(pc) =	sbr.rel @!p0 .LBB2_2-.Ltmp0, $4  }
0xf: {  	s8 =	sadd.s32 $0x668400, s8;
	[sflag:s7] =	ssyncadd.s32 $0xFFFE7000  }
0x10: {  	[hbm4b:s8+s2] =	stream.linear.scatter [tilespmem:s6], [sflag:$0x2], $0x19000, $0x38;
	[tilespmem:$0x19C80] =	vst v63  }
0x11: {  	_ =	swait.ge [sflag:s3], $0x19000  }
0x12: {  	s9 =	sadd.s32 $0xFFFFFFFF, s9;
	[sflag:s3] =	ssyncset.done $0x0  }
.LBB2_1:
0x13: {  	p0 =	sne.s32 s9, $0x1;
	s9 =	sadd.s32 $0xFFFFFFFF, s9;
	[sflag:s3] =	ssyncadd.s32 $0xFFFE7000  }
0x14: {  	[tilespmem:s2], [sflag:$0x2] =	stream.linear.gather [hbm4b:s4+s2], $0xC80, $0x38;
	[tilespmem:$0x19C80] =	vst v63  }
0x15: {  	_ =	swait.ge [sflag:s3], $0xC80  }
0x16: {  	[sflag:s3] =	ssyncset.done $0x0  }
0x17: {  	[sflag:s3] =	ssyncadd.s32 $0xFFFFF380  }
0x18: {  	[tilespmem:s6], [sflag:$0x1] =	stream.indirect.gather [hbm4b:s5+s6], $0x20, s2, s6, $0xb8;
	[tilespmem:$0x19C80] =	vst v63  }
0x19: {  	_ =	swait.ge [sflag:s7], $0x19000  }
.Ltmp1:
0x1a: {  	[sflag:s7] =	ssyncset.done $0x0;
	(pc) =	sbr.rel @p0 .LBB2_1-.Ltmp1, $4  }
0x1b: {  	[sflag:s7] =	ssyncadd.s32 $0xFFFE7000  }
0x1c: {  	[hbm4b:s8+s2] =	stream.linear.scatter [tilespmem:s6], [sflag:$0x2], $0x19000, $0x38;
	[tilespmem:$0x19C80] =	vst v63  }
0x1d: {  	_ =	swait.ge [sflag:s3], $0x19000  }
0x1e: {  	[sflag:s3] =	ssyncset.done $0x0  }
.LBB2_2:
0x1f: {  	[sflag:s3] =	ssyncadd.s32 $0xFFFE7000  }
0x20: {  	_ =	sfence.sel $0x180000  }
0x21: {  	[bflag:$0x0] =	sbarrier.arrive $0xFFFF  }
0x22: {  	p0 =	sne.s32 s0, $0x0;
	_ =	strace $0x90000059  }
0x23: {  	s0 =	sadd.s32 @!p0 $0x100000, s1;
	[bflag:$0x2] =	sbarrier.arrive $0xFFFF  }
0x24: {  	[sflag:s0] =	ssyncadd.tile.s32 @!p0 $0x1;
	_ =	shalt  }
.Lfunc_end2:
_tile_overlayer_lowered:
.L_overlay_start_2:
0x25: {  	(tag) =	ssettag $0x2  }
0x26: {  	s0 =	rddreg [dreg:$0x0];
	s2 =	stileid.u32  }
0x27: {  	s1 =	rddreg [dreg:$0x1];
	p0 =	sne.s32 s2, $0x0  }
0x28: {  	s3 =	rddreg [dreg:$0x2];
	[bflag:$0x3] =	sbarrier.arrive $0xFFFF;
	s2 =	simm.s32 @!p0 $0x1C02  }
0x29: {  	[timem:s3], [sflag:s2] =	dma.local @!p0 [hbm:s0], s1  }
0x2a: {  	s0 =	simm.s32 @!p0 $0x2  }
0x2b: {  	_ =	swait.ge @!p0 [sflag:s0], s1  }
0x2c: {  	s1 =	ssub.s32 @!p0 $0x0, s1;
	[sflag:s0] =	ssyncset.done @!p0 $0x0  }
0x2d: {  	[sflag:s0] =	ssyncadd.s32 @!p0 s1  }
0x2e: {  	[bflag:$0x3] =	sbarrier.arrive $0xFFFF  }
0x2f: {  	_ =	shalt  }

// kernel: kernel.25.cloned.1.call-start
scs
__scs_entry_jumppad:
0x0: {  	(pc) =	sbr.rel $0x88, $3  }
0x1: {  	(tag) =	ssettag $0x0;
	lr =	simm.s32 $0x1  }
0x2: {  	[smem:$0x3F9F] =	sst lr;
	_ =	strace $0xD0000000  }
0x3: {  	_ = 	snop  }
0x4: {  	_ = 	snop  }
0x5: {  	_ = 	snop  }
0x6: {  	_ = 	snop  }
0x7: {  	_ = 	snop  }
__scs_overlays_trampoline_lowered:
0x8: {  	[smem:$0x3FAE] =	sst s0  }
0x9: {  	[smem:$0x3FAF] =	sst s1  }
0xa: {  	[smem:$0x3FB0] =	sst s2  }
0xb: {  	[smem:$0x3FB1] =	sst s3  }
0xc: {  	[smem:$0x3FB2] =	sst s4  }
0xd: {  	[smem:$0x3FB3] =	sst s5  }
0xe: {  	[smem:$0x3FB4] =	sst s6  }
0xf: {  	[smem:$0x3FB5] =	sst s7  }
0x10: {  	[smem:$0x3FB6] =	sst s8  }
0x11: {  	[smem:$0x3FB7] =	sst s9;
	s0 =	simm.s32 @!p0 $0x0  }
0x12: {  	s1 =	sld [smem:$0x3F9D];
	s0 =	simm.s32 @p0 $0x1  }
0x13: {  	[smem:$0x3FB8] =	sst s0;
	s0 =	simm.s32 @!p1 $0x0  }
0x14: {  	s2 =	sld [smem:$0x3F9C];
	s0 =	simm.s32 @p1 $0x1  }
0x15: {  	[smem:$0x3FB9] =	sst s0;
	s0 =	simm.s32 @!p2 $0x0  }
0x16: {  	s3 =	sld [smem:$0x3FDB];
	s0 =	simm.s32 @p2 $0x1  }
0x17: {  	s4 =	simm.s32 $0x1BF5;
	[smem:$0x3FBB] =	sst s0  }
0x18: {  	s0 =	sld [smem:$0x3F9E];
	_ =	swait.ge [sflag:s4], $0x0  }
0x19: {  	s7 =	sld [smem:$0x3F9F]  }
0x1a: {  	s8 =	sadd.s32 $0xFFFFE003, lr  }
0x1b: {  	s9 =	sadd.s32 $0xFFFFFEF7, lr;
	s5 =	simm.s32 $0xFFFFFFFF;
	p2 =	slt.u32 s8, $0xFFFFF086  }
0x1c: {  	p1 =	slt.u32 s9, $0xF7A;
	s5 =	simm.s32 @!p2 $0x0  }
0x1d: {  	s5 =	simm.s32 @p1 $0x1;
	p0 =	seq.s32 s7, s2  }
0x1e: {  	s7 =	smul.u32 @!p0 $0xF7A, s2;
	p2 =	seq.s32 @!p0 s5, $0x0  }
0x1f: {  	s9 =	smul.u32 $0xF7A, s1;
	s8 =	simm.s32 @!p0 $0x1BF5;
	p2 =	por !p2, p0  }
0x20: {  	[sflag:s8] =	ssyncset.s32 @!p0 $0xFFFFF086;
	s6 =	sadd.s32 @!p0 s3, s7;
	s7 =	simm.s32 @!p0 $0x108  }
0x21: {  	s3 =	sadd.s32 s3, s9;
	s6 =	sadd.s32 @!p0 $0x88, s6;
	s7 =	simm.s32 @p2 $0x1082  }
0x22: {  	[simem:s7], [sflag:s8] =	dma.local @!p0 [hbm:s6], $0xF7A  }
0x23: {  	s9 =	sor.u32 $0xD0000000, s2;
	s6 =	simm.s32 $0x108;
	_ =	swait.ge @!p0 [sflag:s8], $0x0  }
0x24: {  	s3 =	sadd.s32 $0x88, s3;
	s6 =	simm.s32 @!p1 $0x1082;
	[sflag:s4] =	ssyncset.s32 $0xFFFFF086  }
0x25: {  	[simem:s6], [sflag:s4] =	dma.local [hbm:s3], $0xF7A  }
0x26: {  	[smem:$0x3F9F] =	sst s1;
	(tag) =	ssettag s2;
	_ =	strace s9  }
0x27: {  	s1 =	sld [smem:$0x3FAF]  }
0x28: {  	s2 =	sld [smem:$0x3FB0]  }
0x29: {  	s4 =	sld [smem:$0x3FB2]  }
0x2a: {  	p0 =	seq.s32 s5, $0x0;
	s5 =	sld [smem:$0x3FB3]  }
0x2b: {  	s6 =	sld [smem:$0x3FB4]  }
0x2c: {  	s7 =	sld [smem:$0x3FB5]  }
0x2d: {  	s3 =	simm.s32 $0x108;
	s8 =	sld [smem:$0x3FB6]  }
0x2e: {  	s3 =	simm.s32 @!p0 $0x1082;
	s9 =	sld [smem:$0x3FB7]  }
0x2f: {  	lr =	sadd.s32 s0, s3;
	s0 =	sld [smem:$0x3FAE]  }
0x30: {  	s3 =	sld [smem:$0x3FB1]  }
0x31: {  	[smem:$0x3FBA] =	sst s10  }
0x32: {  	s10 =	sld [smem:$0x3FB8];
	_ =	sdelay $0x3  }
0x33: {  	p0 =	seq.s32 s10, $0x1;
	s10 =	sld [smem:$0x3FBA];
	_ =	sdelay $0x3  }
0x34: {  	[smem:$0x3FBA] =	sst s10  }
0x35: {  	s10 =	sld [smem:$0x3FB9];
	_ =	sdelay $0x3  }
0x36: {  	p1 =	seq.s32 s10, $0x1;
	s10 =	sld [smem:$0x3FBA];
	_ =	sdelay $0x3  }
0x37: {  	[smem:$0x3FBA] =	sst s10  }
0x38: {  	s10 =	sld [smem:$0x3FBB]  }
0x39: {  	_ = 	snop;
	(pc) =	sbr.ind lr, $3  }
0x3a: {  	_ = 	snop  }
0x3b: {  	_ = 	snop  }
0x3c: {  	p2 =	seq.s32 s10, $0x1;
	s10 =	sld [smem:$0x3FBA]  }
0x3d: {  	_ =	shalt  }
0x3e: {  	_ =	shalt  }
0x3f: {  	_ =	shalt  }
0x40: {  	_ =	shalt  }
0x41: {  	_ =	shalt  }
0x42: {  	_ =	shalt  }
0x43: {  	_ =	shalt  }
0x44: {  	_ =	shalt  }
0x45: {  	_ =	shalt  }
0x46: {  	_ =	shalt  }
0x47: {  	_ =	shalt  }
0x48: {  	_ =	shalt  }
0x49: {  	_ =	shalt  }
0x4a: {  	_ =	shalt  }
0x4b: {  	_ =	shalt  }
0x4c: {  	_ =	shalt  }
0x4d: {  	_ =	shalt  }
0x4e: {  	_ =	shalt  }
0x4f: {  	_ =	shalt  }
0x50: {  	_ =	shalt  }
0x51: {  	_ =	shalt  }
0x52: {  	_ =	shalt  }
0x53: {  	_ =	shalt  }
0x54: {  	_ =	shalt  }
0x55: {  	_ =	shalt  }
0x56: {  	_ =	shalt  }
0x57: {  	_ =	shalt  }
0x58: {  	_ =	shalt  }
0x59: {  	_ =	shalt  }
0x5a: {  	_ =	shalt  }
0x5b: {  	_ =	shalt  }
0x5c: {  	_ =	shalt  }
0x5d: {  	_ =	shalt  }
0x5e: {  	_ =	shalt  }
0x5f: {  	_ =	shalt  }
0x60: {  	_ =	shalt  }
0x61: {  	_ =	shalt  }
0x62: {  	_ =	shalt  }
0x63: {  	_ =	shalt  }
0x64: {  	_ =	shalt  }
0x65: {  	_ =	shalt  }
0x66: {  	_ =	shalt  }
0x67: {  	_ =	shalt  }
0x68: {  	_ =	shalt  }
0x69: {  	_ =	shalt  }
0x6a: {  	_ =	shalt  }
0x6b: {  	_ =	shalt  }
0x6c: {  	_ =	shalt  }
0x6d: {  	_ =	shalt  }
0x6e: {  	_ =	shalt  }
0x6f: {  	_ =	shalt  }
0x70: {  	_ =	shalt  }
0x71: {  	_ =	shalt  }
0x72: {  	_ =	shalt  }
0x73: {  	_ =	shalt  }
0x74: {  	_ =	shalt  }
0x75: {  	_ =	shalt  }
0x76: {  	_ =	shalt  }
0x77: {  	_ =	shalt  }
0x78: {  	_ =	shalt  }
0x79: {  	_ =	shalt  }
0x7a: {  	_ =	shalt  }
0x7b: {  	_ =	shalt  }
0x7c: {  	_ =	shalt  }
0x7d: {  	_ =	shalt  }
0x7e: {  	_ =	shalt  }
0x7f: {  	_ =	shalt  }
0x80: {  	_ =	shalt  }
0x81: {  	_ =	shalt  }
0x82: {  	_ =	shalt  }
0x83: {  	_ =	shalt  }
0x84: {  	_ =	shalt  }
0x85: {  	_ =	shalt  }
0x86: {  	_ =	shalt  }
0x87: {  	_ =	shalt  }
.Lfunc_end0:
.L_simem_size_0:
called_computation.2_lowered:
.L_overlay_start_0:
0x88: {  	s2 =	sld [smem:$0x3FD9]  }
0x89: {  	s3 =	sld [smem:$0x3FFE];
	_ =	sdelay $0x1  }
0x8a: {  	s1 =	srdreg.scid  }
0x8b: {  	s0 =	sand.u32 $0x1, s1  }
0x8c: {  	s17 =	sshll.u32 s0, $0xA;
	s2 =	sadd.s32 s3, s2  }
0x8d: {  	s2 =	sadd.s32 s2, s17  }
0x8e: {  	[smem:$0x3FC6] =	sst s2  }
0x8f: {  	_ = 	snop  }
0x90: {  	(tm) =	ssettm $0x1  }
0x91: {  	s18 =	sld [smem:$0x3FFB];
	_ =	sdelay $0x3  }
0x92: {  	_ =	strace s18  }
0x93: {  	s2 =	sld [smem:$0x3FFC];
	_ =	sdelay $0x3  }
0x94: {  	_ =	strace s2  }
0x95: {  	s2 =	sld [smem:$0x3FFD];
	_ =	sdelay $0x3  }
0x96: {  	_ =	strace s2  }
0x97: {  	_ =	strace $0x8FFFFFFF  }
0x98: {  	s19 =	sld [smem:$0x3FDB];
	_ =	sdelay $0x1  }
0x99: {  	s20 =	simm.s32 $_scs_section_size  }
0x9a: {  	s4 =	simm.s32 $_size__tile_overlayer_lowered;
	s5 =	simm.s32 $_tile_overlayer_lowered  }
0x9b: {  	s6 =	simm.s32 $0x1BFF;
	s21 =	sshll.u32 s5, $0x1;
	s3 =	sadd.s32 s20, s19  }
0x9c: {  	s22 =	simm.s32 $0x0;
	s4 =	sshll.u32 s4, $0x1;
	s5 =	sadd.s32 s21, s3  }
0x9d: {  	[timem:s22], [sflag:s6] =	dma.local [hbm:s5], s4  }
0x9e: {  	_ =	swait.ge [sflag:s6], s4  }
0x9f: {  	s4 =	ssub.s32 $0x0, s4;
	[sflag:s6] =	ssyncset.done $0x0  }
0xa0: {  	[sflag:s6] =	ssyncadd.s32 s4;
	_ =	sdelay $0x1  }
0xa1: {  	s23 =	simm.s32 $0x1B8B  }
0xa2: {  	_ =	swait.ge [sflag:s23], $0x1  }
0xa3: {  	[sflag:s23] =	ssyncset.done $0x0  }
0xa4: {  	[sflag:s23] =	ssyncadd.s32 $0xFFFFFFFF  }
0xa5: {  	s4 =	sld [smem:$0x0]  }
0xa6: {  	s5 =	sand.u32 $0xFFFFFFFE, s1  }
0xa7: {  	p0 =	sne.s32 s1, s5  }
0xa8: {  	s5 =	sshll.u32 @p0 s5, $0xE  }
0xa9: {  	s5 =	sadd.s32 @p0 $0x11B8D, s5;
	s6 =	sshll.u32 @p0 s4, $0x11  }
0xaa: {  	s5 =	sor.u32 @p0 s6, s5  }
0xab: {  	[sflag:s5] =	ssyncadd.remote.s32 @p0 $0x1;
	_ =	sdelay $0x1  }
0xac: {  	s5 =	simm.s32 @p0 $0x1B8D  }
0xad: {  	_ =	swait.eq @p0 [sflag:s5], $0x1  }
0xae: {  	[sflag:s5] =	ssyncadd.s32 @p0 $0xFFFFFFFF  }
0xaf: {  	s6 =	sshll.u32 @!p0 s1, $0xE  }
0xb0: {  	s6 =	sor.u32 @!p0 $0x4000, s6;
	s5 =	simm.s32 @!p0 $0x1B8D  }
0xb1: {  	s4 =	sshll.u32 @!p0 s4, $0x11;
	s6 =	sadd.s32 @!p0 $0x11B8D, s6;
	_ =	swait.eq @!p0 [sflag:s5], $0x1  }
0xb2: {  	s4 =	sor.u32 @!p0 s4, s6;
	[sflag:s5] =	ssyncadd.s32 @!p0 $0xFFFFFFFF  }
0xb3: {  	s25 =	simm.s32 $0x1B8E;
	s24 =	sld [smem:$0x3FFE];
	[sflag:s4] =	ssyncadd.remote.s32 @!p0 $0x1  }
0xb4: {  	s26 =	simm.s32 $execute0_lowered;
	[smem:$0x3FD2] =	sst s25  }
0xb5: {  	s5 =	sshll.u32 s26, $0x1;
	_ =	strace $0x80000055;
	[dreg:$0x1] =	wrdreg $0xFFFFFFFF  }
0xb6: {  	s28 =	simm.s32 $_size_execute0_lowered;
	s3 =	sadd.s32 s3, s5;
	[dreg:$0x0] =	wrdreg $0x0  }
0xb7: {  	s5 =	sshll.u32 s28, $0x1;
	[dreg:$0x2] =	wrdreg s3  }
0xb8: {  	[dreg:$0x3] =	wrdreg s5  }
0xb9: {  	[dreg:$0x4] =	wrdreg $0xC0  }
0xba: {  	_ =	task [dreg:s22], $0x5FFFF  }
0xbb: {  	[dreg:$0x1] =	wrdreg $0xFFFFFFFF  }
0xbc: {  	[dreg:$0x0] =	wrdreg $0x60  }
0xbd: {  	[dreg:$0x2] =	wrdreg s24  }
0xbe: {  	[dreg:$0x3] =	wrdreg $0xB  }
0xbf: {  	_ =	task.clear_ibuf [dreg:s22], $0x4FFFF;
	_ =	strace $0x90000055  }
0xc0: {  	s29 =	simm.s32 $0xB;
	_ =	strace $0x80000057  }
0xc1: {  	_ =	swait.ge [sflag:s29], $0x1  }
0xc2: {  	[sflag:s29] =	ssyncadd.s32 $0xFFFFFFFF  }
0xc3: {  	_ =	strace $0x90000057  }
0xc4: {  	_ =	sfence  }
0xc5: {  	s30 =	sld [smem:$0x0];
	_ =	sdelay $0x2  }
0xc6: {  	s31 =	sshll.u32 s1, $0xD;
	s1 =	sshrl.u32 s1, $0x2  }
0xc7: {  	s4 =	sand.u32 $0x4000, s31;
	s1 =	sadd.s32 s1, s30  }
0xc8: {  	s0 =	sor.u32 s4, s0;
	s1 =	sshll.u32 s1, $0x11  }
0xc9: {  	s0 =	sor.u32 s1, s0  }
0xca: {  	s0 =	sadd.s32 $0x8F2B, s0  }
0xcb: {  	[sflag:s0] =	ssyncadd.remote.s32 $0x1  }
0xcc: {  	_ =	sfence.sel $0xFFFF  }
0xcd: {  	[dreg:$0x0] =	wrdreg $0xFFFFFFFF;
	(pc) =	sbr.abs _section_cstart, $3  }
0xce: {  	[dreg:$0x1] =	wrdreg $0xFFFFFFFF  }
0xcf: {  	_ =	task.clear_ibuf [dreg:s22], $0x2FFFF;
	_ =	strace $0x9FFFFFFF  }
0xd0: {  	(tm) =	ssettm $0x7FFFFFFF  }
0xd1: {  	_ =	shalt  }
tec
execute0_lowered:
.L_overlay_start_1:
0x0: {  	(tag) =	ssettag $0x1  }
0x1: {  	s1 =	srdreg.scid;
	s0 =	stileid.u32  }
0x2: {  	s6 =	sand.u32 $0x1, s1;
	s30 =	sshll.u32 s0, $0x1  }
0x3: {  	s8 =	rddreg [dreg:$0x0];
	s7 =	sor.u32 s6, s30  }
0x4: {  	s2 =	simm.s32 $0x0;
	s1 =	rddreg [dreg:$0x1];
	s3 =	smul.u32 $0x190, s7  }
0x5: {  	[smem:$0x7FF] =	sst s2;
	s5 =	sadd.s32 $0x2D200, s8  }
0x6: {  	_ =	strace $0x80000056;
	s10 =	ssub.s32 $0x2, s6;
	s3 =	sadd.s32 s3, s8  }
0x7: {  	s6 =	simm.s32 $0xC80;
	s4 =	sadd.s32 $0x1B600, s3;
	s3 =	simm.s32 $0x2  }
0x8: {  	[tilespmem:s2], [sflag:$0x2] =	stream.linear.gather [hbm4b:s4+s2], $0xC80, $0x38;
	[tilespmem:$0x19C80] =	vst v63  }
0x9: {  	s9 =	smul.u32 $0x3200, s7;
	s11 =	sshrl.u32 s10, $0x1;
	_ =	swait.ge [sflag:s3], $0xC80  }
0xa: {  	s7 =	simm.s32 $0x1;
	s31 =	ssub.s32 s10, s11;
	[sflag:s3] =	ssyncset.done $0x0  }
0xb: {  	s8 =	sadd.s32 s9, s8;
	s9 =	smax.u32 s31, $0x1;
	[sflag:s3] =	ssyncadd.s32 $0xFFFFF380  }
0xc: {  	[tilespmem:s6], [sflag:$0x1] =	stream.indirect.gather [hbm4b:s5+s6], $0x20, s2, s6, $0xb8;
	[tilespmem:$0x19C80] =	vst v63  }
0xd: {  	p0 =	sne.s32 s9, $0x1;
	_ =	swait.ge [sflag:s7], $0x19000  }
.Ltmp0:
0xe: {  	[sflag:s7] =	ssyncset.done $0x0;
	(pc) =	sbr.rel @!p0 .LBB2_2-.Ltmp0, $4  }
0xf: {  	s8 =	sadd.s32 $0x604400, s8;
	[sflag:s7] =	ssyncadd.s32 $0xFFFE7000  }
0x10: {  	[hbm4b:s8+s2] =	stream.linear.scatter [tilespmem:s6], [sflag:$0x2], $0x19000, $0x38;
	[tilespmem:$0x19C80] =	vst v63  }
0x11: {  	_ =	swait.ge [sflag:s3], $0x19000  }
0x12: {  	s9 =	sadd.s32 $0xFFFFFFFF, s9;
	[sflag:s3] =	ssyncset.done $0x0  }
.LBB2_1:
0x13: {  	p0 =	sne.s32 s9, $0x1;
	s9 =	sadd.s32 $0xFFFFFFFF, s9;
	[sflag:s3] =	ssyncadd.s32 $0xFFFE7000  }
0x14: {  	[tilespmem:s2], [sflag:$0x2] =	stream.linear.gather [hbm4b:s4+s2], $0xC80, $0x38;
	[tilespmem:$0x19C80] =	vst v63  }
0x15: {  	_ =	swait.ge [sflag:s3], $0xC80  }
0x16: {  	[sflag:s3] =	ssyncset.done $0x0  }
0x17: {  	[sflag:s3] =	ssyncadd.s32 $0xFFFFF380  }
0x18: {  	[tilespmem:s6], [sflag:$0x1] =	stream.indirect.gather [hbm4b:s5+s6], $0x20, s2, s6, $0xb8;
	[tilespmem:$0x19C80] =	vst v63  }
0x19: {  	_ =	swait.ge [sflag:s7], $0x19000  }
.Ltmp1:
0x1a: {  	[sflag:s7] =	ssyncset.done $0x0;
	(pc) =	sbr.rel @p0 .LBB2_1-.Ltmp1, $4  }
0x1b: {  	[sflag:s7] =	ssyncadd.s32 $0xFFFE7000  }
0x1c: {  	[hbm4b:s8+s2] =	stream.linear.scatter [tilespmem:s6], [sflag:$0x2], $0x19000, $0x38;
	[tilespmem:$0x19C80] =	vst v63  }
0x1d: {  	_ =	swait.ge [sflag:s3], $0x19000  }
0x1e: {  	[sflag:s3] =	ssyncset.done $0x0  }
.LBB2_2:
0x1f: {  	[sflag:s3] =	ssyncadd.s32 $0xFFFE7000  }
0x20: {  	_ =	sfence.sel $0x180000  }
0x21: {  	[bflag:$0x0] =	sbarrier.arrive $0xFFFF  }
0x22: {  	p0 =	sne.s32 s0, $0x0;
	_ =	strace $0x90000056  }
0x23: {  	s0 =	sadd.s32 @!p0 $0x100000, s1;
	[bflag:$0x2] =	sbarrier.arrive $0xFFFF  }
0x24: {  	[sflag:s0] =	ssyncadd.tile.s32 @!p0 $0x1;
	_ =	shalt  }
.Lfunc_end2:
_tile_overlayer_lowered:
.L_overlay_start_2:
0x25: {  	(tag) =	ssettag $0x2  }
0x26: {  	s0 =	rddreg [dreg:$0x0];
	s2 =	stileid.u32  }
0x27: {  	s1 =	rddreg [dreg:$0x1];
	p0 =	sne.s32 s2, $0x0  }
0x28: {  	s3 =	rddreg [dreg:$0x2];
	[bflag:$0x3] =	sbarrier.arrive $0xFFFF;
	s2 =	simm.s32 @!p0 $0x1C02  }
0x29: {  	[timem:s3], [sflag:s2] =	dma.local @!p0 [hbm:s0], s1  }
0x2a: {  	s0 =	simm.s32 @!p0 $0x2  }
0x2b: {  	_ =	swait.ge @!p0 [sflag:s0], s1  }
0x2c: {  	s1 =	ssub.s32 @!p0 $0x0, s1;
	[sflag:s0] =	ssyncset.done @!p0 $0x0  }
0x2d: {  	[sflag:s0] =	ssyncadd.s32 @!p0 s1  }
0x2e: {  	[bflag:$0x3] =	sbarrier.arrive $0xFFFF  }
0x2f: {  	_ =	shalt  }

// kernel: kernel.28.cloned.1.call-start
scs
__scs_entry_jumppad:
0x0: {  	(pc) =	sbr.rel $0x88, $3  }
0x1: {  	(tag) =	ssettag $0x0;
	lr =	simm.s32 $0x1  }
0x2: {  	[smem:$0x3F9F] =	sst lr;
	_ =	strace $0xD0000000  }
0x3: {  	_ = 	snop  }
0x4: {  	_ = 	snop  }
0x5: {  	_ = 	snop  }
0x6: {  	_ = 	snop  }
0x7: {  	_ = 	snop  }
__scs_overlays_trampoline_lowered:
0x8: {  	[smem:$0x3FAE] =	sst s0  }
0x9: {  	[smem:$0x3FAF] =	sst s1  }
0xa: {  	[smem:$0x3FB0] =	sst s2  }
0xb: {  	[smem:$0x3FB1] =	sst s3  }
0xc: {  	[smem:$0x3FB2] =	sst s4  }
0xd: {  	[smem:$0x3FB3] =	sst s5  }
0xe: {  	[smem:$0x3FB4] =	sst s6  }
0xf: {  	[smem:$0x3FB5] =	sst s7  }
0x10: {  	[smem:$0x3FB6] =	sst s8  }
0x11: {  	[smem:$0x3FB7] =	sst s9;
	s0 =	simm.s32 @!p0 $0x0  }
0x12: {  	s1 =	sld [smem:$0x3F9D];
	s0 =	simm.s32 @p0 $0x1  }
0x13: {  	[smem:$0x3FB8] =	sst s0;
	s0 =	simm.s32 @!p1 $0x0  }
0x14: {  	s2 =	sld [smem:$0x3F9C];
	s0 =	simm.s32 @p1 $0x1  }
0x15: {  	[smem:$0x3FB9] =	sst s0;
	s0 =	simm.s32 @!p2 $0x0  }
0x16: {  	s3 =	sld [smem:$0x3FDB];
	s0 =	simm.s32 @p2 $0x1  }
0x17: {  	s4 =	simm.s32 $0x1BF5;
	[smem:$0x3FBB] =	sst s0  }
0x18: {  	s0 =	sld [smem:$0x3F9E];
	_ =	swait.ge [sflag:s4], $0x0  }
0x19: {  	s7 =	sld [smem:$0x3F9F]  }
0x1a: {  	s8 =	sadd.s32 $0xFFFFE003, lr  }
0x1b: {  	s9 =	sadd.s32 $0xFFFFFEF7, lr;
	s5 =	simm.s32 $0xFFFFFFFF;
	p2 =	slt.u32 s8, $0xFFFFF086  }
0x1c: {  	p1 =	slt.u32 s9, $0xF7A;
	s5 =	simm.s32 @!p2 $0x0  }
0x1d: {  	s5 =	simm.s32 @p1 $0x1;
	p0 =	seq.s32 s7, s2  }
0x1e: {  	s7 =	smul.u32 @!p0 $0xF7A, s2;
	p2 =	seq.s32 @!p0 s5, $0x0  }
0x1f: {  	s9 =	smul.u32 $0xF7A, s1;
	s8 =	simm.s32 @!p0 $0x1BF5;
	p2 =	por !p2, p0  }
0x20: {  	[sflag:s8] =	ssyncset.s32 @!p0 $0xFFFFF086;
	s6 =	sadd.s32 @!p0 s3, s7;
	s7 =	simm.s32 @!p0 $0x108  }
0x21: {  	s3 =	sadd.s32 s3, s9;
	s6 =	sadd.s32 @!p0 $0x88, s6;
	s7 =	simm.s32 @p2 $0x1082  }
0x22: {  	[simem:s7], [sflag:s8] =	dma.local @!p0 [hbm:s6], $0xF7A  }
0x23: {  	s9 =	sor.u32 $0xD0000000, s2;
	s6 =	simm.s32 $0x108;
	_ =	swait.ge @!p0 [sflag:s8], $0x0  }
0x24: {  	s3 =	sadd.s32 $0x88, s3;
	s6 =	simm.s32 @!p1 $0x1082;
	[sflag:s4] =	ssyncset.s32 $0xFFFFF086  }
0x25: {  	[simem:s6], [sflag:s4] =	dma.local [hbm:s3], $0xF7A  }
0x26: {  	[smem:$0x3F9F] =	sst s1;
	(tag) =	ssettag s2;
	_ =	strace s9  }
0x27: {  	s1 =	sld [smem:$0x3FAF]  }
0x28: {  	s2 =	sld [smem:$0x3FB0]  }
0x29: {  	s4 =	sld [smem:$0x3FB2]  }
0x2a: {  	p0 =	seq.s32 s5, $0x0;
	s5 =	sld [smem:$0x3FB3]  }
0x2b: {  	s6 =	sld [smem:$0x3FB4]  }
0x2c: {  	s7 =	sld [smem:$0x3FB5]  }
0x2d: {  	s3 =	simm.s32 $0x108;
	s8 =	sld [smem:$0x3FB6]  }
0x2e: {  	s3 =	simm.s32 @!p0 $0x1082;
	s9 =	sld [smem:$0x3FB7]  }
0x2f: {  	lr =	sadd.s32 s0, s3;
	s0 =	sld [smem:$0x3FAE]  }
0x30: {  	s3 =	sld [smem:$0x3FB1]  }
0x31: {  	[smem:$0x3FBA] =	sst s10  }
0x32: {  	s10 =	sld [smem:$0x3FB8];
	_ =	sdelay $0x3  }
0x33: {  	p0 =	seq.s32 s10, $0x1;
	s10 =	sld [smem:$0x3FBA];
	_ =	sdelay $0x3  }
0x34: {  	[smem:$0x3FBA] =	sst s10  }
0x35: {  	s10 =	sld [smem:$0x3FB9];
	_ =	sdelay $0x3  }
0x36: {  	p1 =	seq.s32 s10, $0x1;
	s10 =	sld [smem:$0x3FBA];
	_ =	sdelay $0x3  }
0x37: {  	[smem:$0x3FBA] =	sst s10  }
0x38: {  	s10 =	sld [smem:$0x3FBB]  }
0x39: {  	_ = 	snop;
	(pc) =	sbr.ind lr, $3  }
0x3a: {  	_ = 	snop  }
0x3b: {  	_ = 	snop  }
0x3c: {  	p2 =	seq.s32 s10, $0x1;
	s10 =	sld [smem:$0x3FBA]  }
0x3d: {  	_ =	shalt  }
0x3e: {  	_ =	shalt  }
0x3f: {  	_ =	shalt  }
0x40: {  	_ =	shalt  }
0x41: {  	_ =	shalt  }
0x42: {  	_ =	shalt  }
0x43: {  	_ =	shalt  }
0x44: {  	_ =	shalt  }
0x45: {  	_ =	shalt  }
0x46: {  	_ =	shalt  }
0x47: {  	_ =	shalt  }
0x48: {  	_ =	shalt  }
0x49: {  	_ =	shalt  }
0x4a: {  	_ =	shalt  }
0x4b: {  	_ =	shalt  }
0x4c: {  	_ =	shalt  }
0x4d: {  	_ =	shalt  }
0x4e: {  	_ =	shalt  }
0x4f: {  	_ =	shalt  }
0x50: {  	_ =	shalt  }
0x51: {  	_ =	shalt  }
0x52: {  	_ =	shalt  }
0x53: {  	_ =	shalt  }
0x54: {  	_ =	shalt  }
0x55: {  	_ =	shalt  }
0x56: {  	_ =	shalt  }
0x57: {  	_ =	shalt  }
0x58: {  	_ =	shalt  }
0x59: {  	_ =	shalt  }
0x5a: {  	_ =	shalt  }
0x5b: {  	_ =	shalt  }
0x5c: {  	_ =	shalt  }
0x5d: {  	_ =	shalt  }
0x5e: {  	_ =	shalt  }
0x5f: {  	_ =	shalt  }
0x60: {  	_ =	shalt  }
0x61: {  	_ =	shalt  }
0x62: {  	_ =	shalt  }
0x63: {  	_ =	shalt  }
0x64: {  	_ =	shalt  }
0x65: {  	_ =	shalt  }
0x66: {  	_ =	shalt  }
0x67: {  	_ =	shalt  }
0x68: {  	_ =	shalt  }
0x69: {  	_ =	shalt  }
0x6a: {  	_ =	shalt  }
0x6b: {  	_ =	shalt  }
0x6c: {  	_ =	shalt  }
0x6d: {  	_ =	shalt  }
0x6e: {  	_ =	shalt  }
0x6f: {  	_ =	shalt  }
0x70: {  	_ =	shalt  }
0x71: {  	_ =	shalt  }
0x72: {  	_ =	shalt  }
0x73: {  	_ =	shalt  }
0x74: {  	_ =	shalt  }
0x75: {  	_ =	shalt  }
0x76: {  	_ =	shalt  }
0x77: {  	_ =	shalt  }
0x78: {  	_ =	shalt  }
0x79: {  	_ =	shalt  }
0x7a: {  	_ =	shalt  }
0x7b: {  	_ =	shalt  }
0x7c: {  	_ =	shalt  }
0x7d: {  	_ =	shalt  }
0x7e: {  	_ =	shalt  }
0x7f: {  	_ =	shalt  }
0x80: {  	_ =	shalt  }
0x81: {  	_ =	shalt  }
0x82: {  	_ =	shalt  }
0x83: {  	_ =	shalt  }
0x84: {  	_ =	shalt  }
0x85: {  	_ =	shalt  }
0x86: {  	_ =	shalt  }
0x87: {  	_ =	shalt  }
.Lfunc_end0:
.L_simem_size_0:
called_computation.3_lowered:
.L_overlay_start_0:
0x88: {  	s2 =	sld [smem:$0x3FD9]  }
0x89: {  	s3 =	sld [smem:$0x3FFE];
	_ =	sdelay $0x1  }
0x8a: {  	s1 =	srdreg.scid  }
0x8b: {  	s0 =	sand.u32 $0x1, s1  }
0x8c: {  	s17 =	sshll.u32 s0, $0xA;
	s2 =	sadd.s32 s3, s2  }
0x8d: {  	s2 =	sadd.s32 s2, s17  }
0x8e: {  	[smem:$0x3FC6] =	sst s2  }
0x8f: {  	_ = 	snop  }
0x90: {  	(tm) =	ssettm $0x1  }
0x91: {  	s18 =	sld [smem:$0x3FFB];
	_ =	sdelay $0x3  }
0x92: {  	_ =	strace s18  }
0x93: {  	s2 =	sld [smem:$0x3FFC];
	_ =	sdelay $0x3  }
0x94: {  	_ =	strace s2  }
0x95: {  	s2 =	sld [smem:$0x3FFD];
	_ =	sdelay $0x3  }
0x96: {  	_ =	strace s2  }
0x97: {  	_ =	strace $0x8FFFFFFF  }
0x98: {  	s19 =	sld [smem:$0x3FDB];
	_ =	sdelay $0x1  }
0x99: {  	s20 =	simm.s32 $_scs_section_size  }
0x9a: {  	s4 =	simm.s32 $_size__tile_overlayer_lowered;
	s5 =	simm.s32 $_tile_overlayer_lowered  }
0x9b: {  	s6 =	simm.s32 $0x1BFF;
	s21 =	sshll.u32 s5, $0x1;
	s3 =	sadd.s32 s20, s19  }
0x9c: {  	s22 =	simm.s32 $0x0;
	s4 =	sshll.u32 s4, $0x1;
	s5 =	sadd.s32 s21, s3  }
0x9d: {  	[timem:s22], [sflag:s6] =	dma.local [hbm:s5], s4  }
0x9e: {  	_ =	swait.ge [sflag:s6], s4  }
0x9f: {  	s4 =	ssub.s32 $0x0, s4;
	[sflag:s6] =	ssyncset.done $0x0  }
0xa0: {  	[sflag:s6] =	ssyncadd.s32 s4;
	_ =	sdelay $0x1  }
0xa1: {  	s23 =	simm.s32 $0x1B8B  }
0xa2: {  	_ =	swait.ge [sflag:s23], $0x1  }
0xa3: {  	[sflag:s23] =	ssyncset.done $0x0  }
0xa4: {  	[sflag:s23] =	ssyncadd.s32 $0xFFFFFFFF  }
0xa5: {  	s4 =	sld [smem:$0x0]  }
0xa6: {  	s5 =	sand.u32 $0xFFFFFFFE, s1  }
0xa7: {  	p0 =	sne.s32 s1, s5  }
0xa8: {  	s5 =	sshll.u32 @p0 s5, $0xE  }
0xa9: {  	s5 =	sadd.s32 @p0 $0x11B8D, s5;
	s6 =	sshll.u32 @p0 s4, $0x11  }
0xaa: {  	s5 =	sor.u32 @p0 s6, s5  }
0xab: {  	[sflag:s5] =	ssyncadd.remote.s32 @p0 $0x1;
	_ =	sdelay $0x1  }
0xac: {  	s5 =	simm.s32 @p0 $0x1B8D  }
0xad: {  	_ =	swait.eq @p0 [sflag:s5], $0x1  }
0xae: {  	[sflag:s5] =	ssyncadd.s32 @p0 $0xFFFFFFFF  }
0xaf: {  	s6 =	sshll.u32 @!p0 s1, $0xE  }
0xb0: {  	s6 =	sor.u32 @!p0 $0x4000, s6;
	s5 =	simm.s32 @!p0 $0x1B8D  }
0xb1: {  	s4 =	sshll.u32 @!p0 s4, $0x11;
	s6 =	sadd.s32 @!p0 $0x11B8D, s6;
	_ =	swait.eq @!p0 [sflag:s5], $0x1  }
0xb2: {  	s4 =	sor.u32 @!p0 s4, s6;
	[sflag:s5] =	ssyncadd.s32 @!p0 $0xFFFFFFFF  }
0xb3: {  	s25 =	simm.s32 $0x1B8E;
	s24 =	sld [smem:$0x3FFE];
	[sflag:s4] =	ssyncadd.remote.s32 @!p0 $0x1  }
0xb4: {  	s26 =	simm.s32 $execute0_lowered;
	[smem:$0x3FD2] =	sst s25  }
0xb5: {  	s5 =	sshll.u32 s26, $0x1;
	_ =	strace $0x80000052;
	[dreg:$0x1] =	wrdreg $0xFFFFFFFF  }
0xb6: {  	s28 =	simm.s32 $_size_execute0_lowered;
	s3 =	sadd.s32 s3, s5;
	[dreg:$0x0] =	wrdreg $0x0  }
0xb7: {  	s5 =	sshll.u32 s28, $0x1;
	[dreg:$0x2] =	wrdreg s3  }
0xb8: {  	[dreg:$0x3] =	wrdreg s5  }
0xb9: {  	[dreg:$0x4] =	wrdreg $0xC0  }
0xba: {  	_ =	task [dreg:s22], $0x5FFFF  }
0xbb: {  	[dreg:$0x1] =	wrdreg $0xFFFFFFFF  }
0xbc: {  	[dreg:$0x0] =	wrdreg $0x60  }
0xbd: {  	[dreg:$0x2] =	wrdreg s24  }
0xbe: {  	[dreg:$0x3] =	wrdreg $0xC  }
0xbf: {  	_ =	task.clear_ibuf [dreg:s22], $0x4FFFF;
	_ =	strace $0x90000052  }
0xc0: {  	s29 =	simm.s32 $0xC;
	_ =	strace $0x80000054  }
0xc1: {  	_ =	swait.ge [sflag:s29], $0x1  }
0xc2: {  	[sflag:s29] =	ssyncadd.s32 $0xFFFFFFFF  }
0xc3: {  	_ =	strace $0x90000054  }
0xc4: {  	_ =	sfence  }
0xc5: {  	s30 =	sld [smem:$0x0];
	_ =	sdelay $0x2  }
0xc6: {  	s31 =	sshll.u32 s1, $0xD;
	s1 =	sshrl.u32 s1, $0x2  }
0xc7: {  	s4 =	sand.u32 $0x4000, s31;
	s1 =	sadd.s32 s1, s30  }
0xc8: {  	s0 =	sor.u32 s4, s0;
	s1 =	sshll.u32 s1, $0x11  }
0xc9: {  	s0 =	sor.u32 s1, s0  }
0xca: {  	s0 =	sadd.s32 $0x8F2B, s0  }
0xcb: {  	[sflag:s0] =	ssyncadd.remote.s32 $0x1  }
0xcc: {  	_ =	sfence.sel $0xFFFF  }
0xcd: {  	[dreg:$0x0] =	wrdreg $0xFFFFFFFF;
	(pc) =	sbr.abs _section_cstart, $3  }
0xce: {  	[dreg:$0x1] =	wrdreg $0xFFFFFFFF  }
0xcf: {  	_ =	task.clear_ibuf [dreg:s22], $0x2FFFF;
	_ =	strace $0x9FFFFFFF  }
0xd0: {  	(tm) =	ssettm $0x7FFFFFFF  }
0xd1: {  	_ =	shalt  }
tec
execute0_lowered:
.L_overlay_start_1:
0x0: {  	(tag) =	ssettag $0x1  }
0x1: {  	s1 =	srdreg.scid;
	s0 =	stileid.u32  }
0x2: {  	s6 =	sand.u32 $0x1, s1;
	s30 =	sshll.u32 s0, $0x1  }
0x3: {  	s8 =	rddreg [dreg:$0x0];
	s7 =	sor.u32 s6, s30  }
0x4: {  	s2 =	simm.s32 $0x0;
	s1 =	rddreg [dreg:$0x1];
	s3 =	smul.u32 $0x190, s7  }
0x5: {  	[smem:$0x7FF] =	sst s2;
	s5 =	sadd.s32 $0x2D200, s8  }
0x6: {  	_ =	strace $0x80000053;
	s10 =	ssub.s32 $0x2, s6;
	s3 =	sadd.s32 s3, s8  }
0x7: {  	s6 =	simm.s32 $0xC80;
	s4 =	sadd.s32 $0x18400, s3;
	s3 =	simm.s32 $0x2  }
0x8: {  	[tilespmem:s2], [sflag:$0x2] =	stream.linear.gather [hbm4b:s4+s2], $0xC80, $0x38;
	[tilespmem:$0x19C80] =	vst v63  }
0x9: {  	s9 =	smul.u32 $0x3200, s7;
	s11 =	sshrl.u32 s10, $0x1;
	_ =	swait.ge [sflag:s3], $0xC80  }
0xa: {  	s7 =	simm.s32 $0x1;
	s31 =	ssub.s32 s10, s11;
	[sflag:s3] =	ssyncset.done $0x0  }
0xb: {  	s8 =	sadd.s32 s9, s8;
	s9 =	smax.u32 s31, $0x1;
	[sflag:s3] =	ssyncadd.s32 $0xFFFFF380  }
0xc: {  	[tilespmem:s6], [sflag:$0x1] =	stream.indirect.gather [hbm4b:s5+s6], $0x20, s2, s6, $0xb8;
	[tilespmem:$0x19C80] =	vst v63  }
0xd: {  	p0 =	sne.s32 s9, $0x1;
	_ =	swait.ge [sflag:s7], $0x19000  }
.Ltmp0:
0xe: {  	[sflag:s7] =	ssyncset.done $0x0;
	(pc) =	sbr.rel @!p0 .LBB2_2-.Ltmp0, $4  }
0xf: {  	s8 =	sadd.s32 $0x5A0400, s8;
	[sflag:s7] =	ssyncadd.s32 $0xFFFE7000  }
0x10: {  	[hbm4b:s8+s2] =	stream.linear.scatter [tilespmem:s6], [sflag:$0x2], $0x19000, $0x38;
	[tilespmem:$0x19C80] =	vst v63  }
0x11: {  	_ =	swait.ge [sflag:s3], $0x19000  }
0x12: {  	s9 =	sadd.s32 $0xFFFFFFFF, s9;
	[sflag:s3] =	ssyncset.done $0x0  }
.LBB2_1:
0x13: {  	p0 =	sne.s32 s9, $0x1;
	s9 =	sadd.s32 $0xFFFFFFFF, s9;
	[sflag:s3] =	ssyncadd.s32 $0xFFFE7000  }
0x14: {  	[tilespmem:s2], [sflag:$0x2] =	stream.linear.gather [hbm4b:s4+s2], $0xC80, $0x38;
	[tilespmem:$0x19C80] =	vst v63  }
0x15: {  	_ =	swait.ge [sflag:s3], $0xC80  }
0x16: {  	[sflag:s3] =	ssyncset.done $0x0  }
0x17: {  	[sflag:s3] =	ssyncadd.s32 $0xFFFFF380  }
0x18: {  	[tilespmem:s6], [sflag:$0x1] =	stream.indirect.gather [hbm4b:s5+s6], $0x20, s2, s6, $0xb8;
	[tilespmem:$0x19C80] =	vst v63  }
0x19: {  	_ =	swait.ge [sflag:s7], $0x19000  }
.Ltmp1:
0x1a: {  	[sflag:s7] =	ssyncset.done $0x0;
	(pc) =	sbr.rel @p0 .LBB2_1-.Ltmp1, $4  }
0x1b: {  	[sflag:s7] =	ssyncadd.s32 $0xFFFE7000  }
0x1c: {  	[hbm4b:s8+s2] =	stream.linear.scatter [tilespmem:s6], [sflag:$0x2], $0x19000, $0x38;
	[tilespmem:$0x19C80] =	vst v63  }
0x1d: {  	_ =	swait.ge [sflag:s3], $0x19000  }
0x1e: {  	[sflag:s3] =	ssyncset.done $0x0  }
.LBB2_2:
0x1f: {  	[sflag:s3] =	ssyncadd.s32 $0xFFFE7000  }
0x20: {  	_ =	sfence.sel $0x180000  }
0x21: {  	[bflag:$0x0] =	sbarrier.arrive $0xFFFF  }
0x22: {  	p0 =	sne.s32 s0, $0x0;
	_ =	strace $0x90000053  }
0x23: {  	s0 =	sadd.s32 @!p0 $0x100000, s1;
	[bflag:$0x2] =	sbarrier.arrive $0xFFFF  }
0x24: {  	[sflag:s0] =	ssyncadd.tile.s32 @!p0 $0x1;
	_ =	shalt  }
.Lfunc_end2:
_tile_overlayer_lowered:
.L_overlay_start_2:
0x25: {  	(tag) =	ssettag $0x2  }
0x26: {  	s0 =	rddreg [dreg:$0x0];
	s2 =	stileid.u32  }
0x27: {  	s1 =	rddreg [dreg:$0x1];
	p0 =	sne.s32 s2, $0x0  }
0x28: {  	s3 =	rddreg [dreg:$0x2];
	[bflag:$0x3] =	sbarrier.arrive $0xFFFF;
	s2 =	simm.s32 @!p0 $0x1C02  }
0x29: {  	[timem:s3], [sflag:s2] =	dma.local @!p0 [hbm:s0], s1  }
0x2a: {  	s0 =	simm.s32 @!p0 $0x2  }
0x2b: {  	_ =	swait.ge @!p0 [sflag:s0], s1  }
0x2c: {  	s1 =	ssub.s32 @!p0 $0x0, s1;
	[sflag:s0] =	ssyncset.done @!p0 $0x0  }
0x2d: {  	[sflag:s0] =	ssyncadd.s32 @!p0 s1  }
0x2e: {  	[bflag:$0x3] =	sbarrier.arrive $0xFFFF  }
0x2f: {  	_ =	shalt  }

// kernel: kernel.31.cloned.1.call-start
scs
__scs_entry_jumppad:
0x0: {  	(pc) =	sbr.rel $0x88, $3  }
0x1: {  	(tag) =	ssettag $0x0;
	lr =	simm.s32 $0x1  }
0x2: {  	[smem:$0x3F9F] =	sst lr;
	_ =	strace $0xD0000000  }
0x3: {  	_ = 	snop  }
0x4: {  	_ = 	snop  }
0x5: {  	_ = 	snop  }
0x6: {  	_ = 	snop  }
0x7: {  	_ = 	snop  }
__scs_overlays_trampoline_lowered:
0x8: {  	[smem:$0x3FAE] =	sst s0  }
0x9: {  	[smem:$0x3FAF] =	sst s1  }
0xa: {  	[smem:$0x3FB0] =	sst s2  }
0xb: {  	[smem:$0x3FB1] =	sst s3  }
0xc: {  	[smem:$0x3FB2] =	sst s4  }
0xd: {  	[smem:$0x3FB3] =	sst s5  }
0xe: {  	[smem:$0x3FB4] =	sst s6  }
0xf: {  	[smem:$0x3FB5] =	sst s7  }
0x10: {  	[smem:$0x3FB6] =	sst s8  }
0x11: {  	[smem:$0x3FB7] =	sst s9;
	s0 =	simm.s32 @!p0 $0x0  }
0x12: {  	s1 =	sld [smem:$0x3F9D];
	s0 =	simm.s32 @p0 $0x1  }
0x13: {  	[smem:$0x3FB8] =	sst s0;
	s0 =	simm.s32 @!p1 $0x0  }
0x14: {  	s2 =	sld [smem:$0x3F9C];
	s0 =	simm.s32 @p1 $0x1  }
0x15: {  	[smem:$0x3FB9] =	sst s0;
	s0 =	simm.s32 @!p2 $0x0  }
0x16: {  	s3 =	sld [smem:$0x3FDB];
	s0 =	simm.s32 @p2 $0x1  }
0x17: {  	s4 =	simm.s32 $0x1BF5;
	[smem:$0x3FBB] =	sst s0  }
0x18: {  	s0 =	sld [smem:$0x3F9E];
	_ =	swait.ge [sflag:s4], $0x0  }
0x19: {  	s7 =	sld [smem:$0x3F9F]  }
0x1a: {  	s8 =	sadd.s32 $0xFFFFE003, lr  }
0x1b: {  	s9 =	sadd.s32 $0xFFFFFEF7, lr;
	s5 =	simm.s32 $0xFFFFFFFF;
	p2 =	slt.u32 s8, $0xFFFFF086  }
0x1c: {  	p1 =	slt.u32 s9, $0xF7A;
	s5 =	simm.s32 @!p2 $0x0  }
0x1d: {  	s5 =	simm.s32 @p1 $0x1;
	p0 =	seq.s32 s7, s2  }
0x1e: {  	s7 =	smul.u32 @!p0 $0xF7A, s2;
	p2 =	seq.s32 @!p0 s5, $0x0  }
0x1f: {  	s9 =	smul.u32 $0xF7A, s1;
	s8 =	simm.s32 @!p0 $0x1BF5;
	p2 =	por !p2, p0  }
0x20: {  	[sflag:s8] =	ssyncset.s32 @!p0 $0xFFFFF086;
	s6 =	sadd.s32 @!p0 s3, s7;
	s7 =	simm.s32 @!p0 $0x108  }
0x21: {  	s3 =	sadd.s32 s3, s9;
	s6 =	sadd.s32 @!p0 $0x88, s6;
	s7 =	simm.s32 @p2 $0x1082  }
0x22: {  	[simem:s7], [sflag:s8] =	dma.local @!p0 [hbm:s6], $0xF7A  }
0x23: {  	s9 =	sor.u32 $0xD0000000, s2;
	s6 =	simm.s32 $0x108;
	_ =	swait.ge @!p0 [sflag:s8], $0x0  }
0x24: {  	s3 =	sadd.s32 $0x88, s3;
	s6 =	simm.s32 @!p1 $0x1082;
	[sflag:s4] =	ssyncset.s32 $0xFFFFF086  }
0x25: {  	[simem:s6], [sflag:s4] =	dma.local [hbm:s3], $0xF7A  }
0x26: {  	[smem:$0x3F9F] =	sst s1;
	(tag) =	ssettag s2;
	_ =	strace s9  }
0x27: {  	s1 =	sld [smem:$0x3FAF]  }
0x28: {  	s2 =	sld [smem:$0x3FB0]  }
0x29: {  	s4 =	sld [smem:$0x3FB2]  }
0x2a: {  	p0 =	seq.s32 s5, $0x0;
	s5 =	sld [smem:$0x3FB3]  }
0x2b: {  	s6 =	sld [smem:$0x3FB4]  }
0x2c: {  	s7 =	sld [smem:$0x3FB5]  }
0x2d: {  	s3 =	simm.s32 $0x108;
	s8 =	sld [smem:$0x3FB6]  }
0x2e: {  	s3 =	simm.s32 @!p0 $0x1082;
	s9 =	sld [smem:$0x3FB7]  }
0x2f: {  	lr =	sadd.s32 s0, s3;
	s0 =	sld [smem:$0x3FAE]  }
0x30: {  	s3 =	sld [smem:$0x3FB1]  }
0x31: {  	[smem:$0x3FBA] =	sst s10  }
0x32: {  	s10 =	sld [smem:$0x3FB8];
	_ =	sdelay $0x3  }
0x33: {  	p0 =	seq.s32 s10, $0x1;
	s10 =	sld [smem:$0x3FBA];
	_ =	sdelay $0x3  }
0x34: {  	[smem:$0x3FBA] =	sst s10  }
0x35: {  	s10 =	sld [smem:$0x3FB9];
	_ =	sdelay $0x3  }
0x36: {  	p1 =	seq.s32 s10, $0x1;
	s10 =	sld [smem:$0x3FBA];
	_ =	sdelay $0x3  }
0x37: {  	[smem:$0x3FBA] =	sst s10  }
0x38: {  	s10 =	sld [smem:$0x3FBB]  }
0x39: {  	_ = 	snop;
	(pc) =	sbr.ind lr, $3  }
0x3a: {  	_ = 	snop  }
0x3b: {  	_ = 	snop  }
0x3c: {  	p2 =	seq.s32 s10, $0x1;
	s10 =	sld [smem:$0x3FBA]  }
0x3d: {  	_ =	shalt  }
0x3e: {  	_ =	shalt  }
0x3f: {  	_ =	shalt  }
0x40: {  	_ =	shalt  }
0x41: {  	_ =	shalt  }
0x42: {  	_ =	shalt  }
0x43: {  	_ =	shalt  }
0x44: {  	_ =	shalt  }
0x45: {  	_ =	shalt  }
0x46: {  	_ =	shalt  }
0x47: {  	_ =	shalt  }
0x48: {  	_ =	shalt  }
0x49: {  	_ =	shalt  }
0x4a: {  	_ =	shalt  }
0x4b: {  	_ =	shalt  }
0x4c: {  	_ =	shalt  }
0x4d: {  	_ =	shalt  }
0x4e: {  	_ =	shalt  }
0x4f: {  	_ =	shalt  }
0x50: {  	_ =	shalt  }
0x51: {  	_ =	shalt  }
0x52: {  	_ =	shalt  }
0x53: {  	_ =	shalt  }
0x54: {  	_ =	shalt  }
0x55: {  	_ =	shalt  }
0x56: {  	_ =	shalt  }
0x57: {  	_ =	shalt  }
0x58: {  	_ =	shalt  }
0x59: {  	_ =	shalt  }
0x5a: {  	_ =	shalt  }
0x5b: {  	_ =	shalt  }
0x5c: {  	_ =	shalt  }
0x5d: {  	_ =	shalt  }
0x5e: {  	_ =	shalt  }
0x5f: {  	_ =	shalt  }
0x60: {  	_ =	shalt  }
0x61: {  	_ =	shalt  }
0x62: {  	_ =	shalt  }
0x63: {  	_ =	shalt  }
0x64: {  	_ =	shalt  }
0x65: {  	_ =	shalt  }
0x66: {  	_ =	shalt  }
0x67: {  	_ =	shalt  }
0x68: {  	_ =	shalt  }
0x69: {  	_ =	shalt  }
0x6a: {  	_ =	shalt  }
0x6b: {  	_ =	shalt  }
0x6c: {  	_ =	shalt  }
0x6d: {  	_ =	shalt  }
0x6e: {  	_ =	shalt  }
0x6f: {  	_ =	shalt  }
0x70: {  	_ =	shalt  }
0x71: {  	_ =	shalt  }
0x72: {  	_ =	shalt  }
0x73: {  	_ =	shalt  }
0x74: {  	_ =	shalt  }
0x75: {  	_ =	shalt  }
0x76: {  	_ =	shalt  }
0x77: {  	_ =	shalt  }
0x78: {  	_ =	shalt  }
0x79: {  	_ =	shalt  }
0x7a: {  	_ =	shalt  }
0x7b: {  	_ =	shalt  }
0x7c: {  	_ =	shalt  }
0x7d: {  	_ =	shalt  }
0x7e: {  	_ =	shalt  }
0x7f: {  	_ =	shalt  }
0x80: {  	_ =	shalt  }
0x81: {  	_ =	shalt  }
0x82: {  	_ =	shalt  }
0x83: {  	_ =	shalt  }
0x84: {  	_ =	shalt  }
0x85: {  	_ =	shalt  }
0x86: {  	_ =	shalt  }
0x87: {  	_ =	shalt  }
.Lfunc_end0:
.L_simem_size_0:
called_computation.4_lowered:
.L_overlay_start_0:
0x88: {  	s2 =	sld [smem:$0x3FD9]  }
0x89: {  	s3 =	sld [smem:$0x3FFE];
	_ =	sdelay $0x1  }
0x8a: {  	s1 =	srdreg.scid  }
0x8b: {  	s0 =	sand.u32 $0x1, s1  }
0x8c: {  	s17 =	sshll.u32 s0, $0xA;
	s2 =	sadd.s32 s3, s2  }
0x8d: {  	s2 =	sadd.s32 s2, s17  }
0x8e: {  	[smem:$0x3FC6] =	sst s2  }
0x8f: {  	_ = 	snop  }
0x90: {  	(tm) =	ssettm $0x1  }
0x91: {  	s18 =	sld [smem:$0x3FFB];
	_ =	sdelay $0x3  }
0x92: {  	_ =	strace s18  }
0x93: {  	s2 =	sld [smem:$0x3FFC];
	_ =	sdelay $0x3  }
0x94: {  	_ =	strace s2  }
0x95: {  	s2 =	sld [smem:$0x3FFD];
	_ =	sdelay $0x3  }
0x96: {  	_ =	strace s2  }
0x97: {  	_ =	strace $0x8FFFFFFF  }
0x98: {  	s19 =	sld [smem:$0x3FDB];
	_ =	sdelay $0x1  }
0x99: {  	s20 =	simm.s32 $_scs_section_size  }
0x9a: {  	s4 =	simm.s32 $_size__tile_overlayer_lowered;
	s5 =	simm.s32 $_tile_overlayer_lowered  }
0x9b: {  	s6 =	simm.s32 $0x1BFF;
	s21 =	sshll.u32 s5, $0x1;
	s3 =	sadd.s32 s20, s19  }
0x9c: {  	s22 =	simm.s32 $0x0;
	s4 =	sshll.u32 s4, $0x1;
	s5 =	sadd.s32 s21, s3  }
0x9d: {  	[timem:s22], [sflag:s6] =	dma.local [hbm:s5], s4  }
0x9e: {  	_ =	swait.ge [sflag:s6], s4  }
0x9f: {  	s4 =	ssub.s32 $0x0, s4;
	[sflag:s6] =	ssyncset.done $0x0  }
0xa0: {  	[sflag:s6] =	ssyncadd.s32 s4;
	_ =	sdelay $0x1  }
0xa1: {  	s23 =	simm.s32 $0x1B8B  }
0xa2: {  	_ =	swait.ge [sflag:s23], $0x1  }
0xa3: {  	[sflag:s23] =	ssyncset.done $0x0  }
0xa4: {  	[sflag:s23] =	ssyncadd.s32 $0xFFFFFFFF  }
0xa5: {  	s4 =	sld [smem:$0x0]  }
0xa6: {  	s5 =	sand.u32 $0xFFFFFFFE, s1  }
0xa7: {  	p0 =	sne.s32 s1, s5  }
0xa8: {  	s5 =	sshll.u32 @p0 s5, $0xE  }
0xa9: {  	s5 =	sadd.s32 @p0 $0x11B8D, s5;
	s6 =	sshll.u32 @p0 s4, $0x11  }
0xaa: {  	s5 =	sor.u32 @p0 s6, s5  }
0xab: {  	[sflag:s5] =	ssyncadd.remote.s32 @p0 $0x1;
	_ =	sdelay $0x1  }
0xac: {  	s5 =	simm.s32 @p0 $0x1B8D  }
0xad: {  	_ =	swait.eq @p0 [sflag:s5], $0x1  }
0xae: {  	[sflag:s5] =	ssyncadd.s32 @p0 $0xFFFFFFFF  }
0xaf: {  	s6 =	sshll.u32 @!p0 s1, $0xE  }
0xb0: {  	s6 =	sor.u32 @!p0 $0x4000, s6;
	s5 =	simm.s32 @!p0 $0x1B8D  }
0xb1: {  	s4 =	sshll.u32 @!p0 s4, $0x11;
	s6 =	sadd.s32 @!p0 $0x11B8D, s6;
	_ =	swait.eq @!p0 [sflag:s5], $0x1  }
0xb2: {  	s4 =	sor.u32 @!p0 s4, s6;
	[sflag:s5] =	ssyncadd.s32 @!p0 $0xFFFFFFFF  }
0xb3: {  	s25 =	simm.s32 $0x1B8E;
	s24 =	sld [smem:$0x3FFE];
	[sflag:s4] =	ssyncadd.remote.s32 @!p0 $0x1  }
0xb4: {  	s26 =	simm.s32 $execute0_lowered;
	[smem:$0x3FD2] =	sst s25  }
0xb5: {  	s5 =	sshll.u32 s26, $0x1;
	_ =	strace $0x8000004F;
	[dreg:$0x1] =	wrdreg $0xFFFFFFFF  }
0xb6: {  	s28 =	simm.s32 $_size_execute0_lowered;
	s3 =	sadd.s32 s3, s5;
	[dreg:$0x0] =	wrdreg $0x0  }
0xb7: {  	s5 =	sshll.u32 s28, $0x1;
	[dreg:$0x2] =	wrdreg s3  }
0xb8: {  	[dreg:$0x3] =	wrdreg s5  }
0xb9: {  	[dreg:$0x4] =	wrdreg $0xC0  }
0xba: {  	_ =	task [dreg:s22], $0x5FFFF  }
0xbb: {  	[dreg:$0x1] =	wrdreg $0xFFFFFFFF  }
0xbc: {  	[dreg:$0x0] =	wrdreg $0x60  }
0xbd: {  	[dreg:$0x2] =	wrdreg s24  }
0xbe: {  	[dreg:$0x3] =	wrdreg $0xD  }
0xbf: {  	_ =	task.clear_ibuf [dreg:s22], $0x4FFFF;
	_ =	strace $0x9000004F  }
0xc0: {  	s29 =	simm.s32 $0xD;
	_ =	strace $0x80000051  }
0xc1: {  	_ =	swait.ge [sflag:s29], $0x1  }
0xc2: {  	[sflag:s29] =	ssyncadd.s32 $0xFFFFFFFF  }
0xc3: {  	_ =	strace $0x90000051  }
0xc4: {  	_ =	sfence  }
0xc5: {  	s30 =	sld [smem:$0x0];
	_ =	sdelay $0x2  }
0xc6: {  	s31 =	sshll.u32 s1, $0xD;
	s1 =	sshrl.u32 s1, $0x2  }
0xc7: {  	s4 =	sand.u32 $0x4000, s31;
	s1 =	sadd.s32 s1, s30  }
0xc8: {  	s0 =	sor.u32 s4, s0;
	s1 =	sshll.u32 s1, $0x11  }
0xc9: {  	s0 =	sor.u32 s1, s0  }
0xca: {  	s0 =	sadd.s32 $0x8F2B, s0  }
0xcb: {  	[sflag:s0] =	ssyncadd.remote.s32 $0x1  }
0xcc: {  	_ =	sfence.sel $0xFFFF  }
0xcd: {  	[dreg:$0x0] =	wrdreg $0xFFFFFFFF;
	(pc) =	sbr.abs _section_cstart, $3  }
0xce: {  	[dreg:$0x1] =	wrdreg $0xFFFFFFFF  }
0xcf: {  	_ =	task.clear_ibuf [dreg:s22], $0x2FFFF;
	_ =	strace $0x9FFFFFFF  }
0xd0: {  	(tm) =	ssettm $0x7FFFFFFF  }
0xd1: {  	_ =	shalt  }
tec
execute0_lowered:
.L_overlay_start_1:
0x0: {  	(tag) =	ssettag $0x1  }
0x1: {  	s1 =	srdreg.scid;
	s0 =	stileid.u32  }
0x2: {  	s6 =	sand.u32 $0x1, s1;
	s30 =	sshll.u32 s0, $0x1  }
0x3: {  	s8 =	rddreg [dreg:$0x0];
	s7 =	sor.u32 s6, s30  }
0x4: {  	s2 =	simm.s32 $0x0;
	s1 =	rddreg [dreg:$0x1];
	s3 =	smul.u32 $0x190, s7  }
0x5: {  	[smem:$0x7FF] =	sst s2;
	s5 =	sadd.s32 $0x2D200, s8  }
0x6: {  	_ =	strace $0x80000050;
	s10 =	ssub.s32 $0x2, s6;
	s3 =	sadd.s32 s3, s8  }
0x7: {  	s6 =	simm.s32 $0xC80;
	s4 =	sadd.s32 $0x15200, s3;
	s3 =	simm.s32 $0x2  }
0x8: {  	[tilespmem:s2], [sflag:$0x2] =	stream.linear.gather [hbm4b:s4+s2], $0xC80, $0x38;
	[tilespmem:$0x19C80] =	vst v63  }
0x9: {  	s9 =	smul.u32 $0x3200, s7;
	s11 =	sshrl.u32 s10, $0x1;
	_ =	swait.ge [sflag:s3], $0xC80  }
0xa: {  	s7 =	simm.s32 $0x1;
	s31 =	ssub.s32 s10, s11;
	[sflag:s3] =	ssyncset.done $0x0  }
0xb: {  	s8 =	sadd.s32 s9, s8;
	s9 =	smax.u32 s31, $0x1;
	[sflag:s3] =	ssyncadd.s32 $0xFFFFF380  }
0xc: {  	[tilespmem:s6], [sflag:$0x1] =	stream.indirect.gather [hbm4b:s5+s6], $0x20, s2, s6, $0xb8;
	[tilespmem:$0x19C80] =	vst v63  }
0xd: {  	p0 =	sne.s32 s9, $0x1;
	_ =	swait.ge [sflag:s7], $0x19000  }
.Ltmp0:
0xe: {  	[sflag:s7] =	ssyncset.done $0x0;
	(pc) =	sbr.rel @!p0 .LBB2_2-.Ltmp0, $4  }
0xf: {  	s8 =	sadd.s32 $0x53C400, s8;
	[sflag:s7] =	ssyncadd.s32 $0xFFFE7000  }
0x10: {  	[hbm4b:s8+s2] =	stream.linear.scatter [tilespmem:s6], [sflag:$0x2], $0x19000, $0x38;
	[tilespmem:$0x19C80] =	vst v63  }
0x11: {  	_ =	swait.ge [sflag:s3], $0x19000  }
0x12: {  	s9 =	sadd.s32 $0xFFFFFFFF, s9;
	[sflag:s3] =	ssyncset.done $0x0  }
.LBB2_1:
0x13: {  	p0 =	sne.s32 s9, $0x1;
	s9 =	sadd.s32 $0xFFFFFFFF, s9;
	[sflag:s3] =	ssyncadd.s32 $0xFFFE7000  }
0x14: {  	[tilespmem:s2], [sflag:$0x2] =	stream.linear.gather [hbm4b:s4+s2], $0xC80, $0x38;
	[tilespmem:$0x19C80] =	vst v63  }
0x15: {  	_ =	swait.ge [sflag:s3], $0xC80  }
0x16: {  	[sflag:s3] =	ssyncset.done $0x0  }
0x17: {  	[sflag:s3] =	ssyncadd.s32 $0xFFFFF380  }
0x18: {  	[tilespmem:s6], [sflag:$0x1] =	stream.indirect.gather [hbm4b:s5+s6], $0x20, s2, s6, $0xb8;
	[tilespmem:$0x19C80] =	vst v63  }
0x19: {  	_ =	swait.ge [sflag:s7], $0x19000  }
.Ltmp1:
0x1a: {  	[sflag:s7] =	ssyncset.done $0x0;
	(pc) =	sbr.rel @p0 .LBB2_1-.Ltmp1, $4  }
0x1b: {  	[sflag:s7] =	ssyncadd.s32 $0xFFFE7000  }
0x1c: {  	[hbm4b:s8+s2] =	stream.linear.scatter [tilespmem:s6], [sflag:$0x2], $0x19000, $0x38;
	[tilespmem:$0x19C80] =	vst v63  }
0x1d: {  	_ =	swait.ge [sflag:s3], $0x19000  }
0x1e: {  	[sflag:s3] =	ssyncset.done $0x0  }
.LBB2_2:
0x1f: {  	[sflag:s3] =	ssyncadd.s32 $0xFFFE7000  }
0x20: {  	_ =	sfence.sel $0x180000  }
0x21: {  	[bflag:$0x0] =	sbarrier.arrive $0xFFFF  }
0x22: {  	p0 =	sne.s32 s0, $0x0;
	_ =	strace $0x90000050  }
0x23: {  	s0 =	sadd.s32 @!p0 $0x100000, s1;
	[bflag:$0x2] =	sbarrier.arrive $0xFFFF  }
0x24: {  	[sflag:s0] =	ssyncadd.tile.s32 @!p0 $0x1;
	_ =	shalt  }
.Lfunc_end2:
_tile_overlayer_lowered:
.L_overlay_start_2:
0x25: {  	(tag) =	ssettag $0x2  }
0x26: {  	s0 =	rddreg [dreg:$0x0];
	s2 =	stileid.u32  }
0x27: {  	s1 =	rddreg [dreg:$0x1];
	p0 =	sne.s32 s2, $0x0  }
0x28: {  	s3 =	rddreg [dreg:$0x2];
	[bflag:$0x3] =	sbarrier.arrive $0xFFFF;
	s2 =	simm.s32 @!p0 $0x1C02  }
0x29: {  	[timem:s3], [sflag:s2] =	dma.local @!p0 [hbm:s0], s1  }
0x2a: {  	s0 =	simm.s32 @!p0 $0x2  }
0x2b: {  	_ =	swait.ge @!p0 [sflag:s0], s1  }
0x2c: {  	s1 =	ssub.s32 @!p0 $0x0, s1;
	[sflag:s0] =	ssyncset.done @!p0 $0x0  }
0x2d: {  	[sflag:s0] =	ssyncadd.s32 @!p0 s1  }
0x2e: {  	[bflag:$0x3] =	sbarrier.arrive $0xFFFF  }
0x2f: {  	_ =	shalt  }

// kernel: kernel.34.cloned.1.call-start
scs
__scs_entry_jumppad:
0x0: {  	(pc) =	sbr.rel $0x88, $3  }
0x1: {  	(tag) =	ssettag $0x0;
	lr =	simm.s32 $0x1  }
0x2: {  	[smem:$0x3F9F] =	sst lr;
	_ =	strace $0xD0000000  }
0x3: {  	_ = 	snop  }
0x4: {  	_ = 	snop  }
0x5: {  	_ = 	snop  }
0x6: {  	_ = 	snop  }
0x7: {  	_ = 	snop  }
__scs_overlays_trampoline_lowered:
0x8: {  	[smem:$0x3FAE] =	sst s0  }
0x9: {  	[smem:$0x3FAF] =	sst s1  }
0xa: {  	[smem:$0x3FB0] =	sst s2  }
0xb: {  	[smem:$0x3FB1] =	sst s3  }
0xc: {  	[smem:$0x3FB2] =	sst s4  }
0xd: {  	[smem:$0x3FB3] =	sst s5  }
0xe: {  	[smem:$0x3FB4] =	sst s6  }
0xf: {  	[smem:$0x3FB5] =	sst s7  }
0x10: {  	[smem:$0x3FB6] =	sst s8  }
0x11: {  	[smem:$0x3FB7] =	sst s9;
	s0 =	simm.s32 @!p0 $0x0  }
0x12: {  	s1 =	sld [smem:$0x3F9D];
	s0 =	simm.s32 @p0 $0x1  }
0x13: {  	[smem:$0x3FB8] =	sst s0;
	s0 =	simm.s32 @!p1 $0x0  }
0x14: {  	s2 =	sld [smem:$0x3F9C];
	s0 =	simm.s32 @p1 $0x1  }
0x15: {  	[smem:$0x3FB9] =	sst s0;
	s0 =	simm.s32 @!p2 $0x0  }
0x16: {  	s3 =	sld [smem:$0x3FDB];
	s0 =	simm.s32 @p2 $0x1  }
0x17: {  	s4 =	simm.s32 $0x1BF5;
	[smem:$0x3FBB] =	sst s0  }
0x18: {  	s0 =	sld [smem:$0x3F9E];
	_ =	swait.ge [sflag:s4], $0x0  }
0x19: {  	s7 =	sld [smem:$0x3F9F]  }
0x1a: {  	s8 =	sadd.s32 $0xFFFFE003, lr  }
0x1b: {  	s9 =	sadd.s32 $0xFFFFFEF7, lr;
	s5 =	simm.s32 $0xFFFFFFFF;
	p2 =	slt.u32 s8, $0xFFFFF086  }
0x1c: {  	p1 =	slt.u32 s9, $0xF7A;
	s5 =	simm.s32 @!p2 $0x0  }
0x1d: {  	s5 =	simm.s32 @p1 $0x1;
	p0 =	seq.s32 s7, s2  }
0x1e: {  	s7 =	smul.u32 @!p0 $0xF7A, s2;
	p2 =	seq.s32 @!p0 s5, $0x0  }
0x1f: {  	s9 =	smul.u32 $0xF7A, s1;
	s8 =	simm.s32 @!p0 $0x1BF5;
	p2 =	por !p2, p0  }
0x20: {  	[sflag:s8] =	ssyncset.s32 @!p0 $0xFFFFF086;
	s6 =	sadd.s32 @!p0 s3, s7;
	s7 =	simm.s32 @!p0 $0x108  }
0x21: {  	s3 =	sadd.s32 s3, s9;
	s6 =	sadd.s32 @!p0 $0x88, s6;
	s7 =	simm.s32 @p2 $0x1082  }
0x22: {  	[simem:s7], [sflag:s8] =	dma.local @!p0 [hbm:s6], $0xF7A  }
0x23: {  	s9 =	sor.u32 $0xD0000000, s2;
	s6 =	simm.s32 $0x108;
	_ =	swait.ge @!p0 [sflag:s8], $0x0  }
0x24: {  	s3 =	sadd.s32 $0x88, s3;
	s6 =	simm.s32 @!p1 $0x1082;
	[sflag:s4] =	ssyncset.s32 $0xFFFFF086  }
0x25: {  	[simem:s6], [sflag:s4] =	dma.local [hbm:s3], $0xF7A  }
0x26: {  	[smem:$0x3F9F] =	sst s1;
	(tag) =	ssettag s2;
	_ =	strace s9  }
0x27: {  	s1 =	sld [smem:$0x3FAF]  }
0x28: {  	s2 =	sld [smem:$0x3FB0]  }
0x29: {  	s4 =	sld [smem:$0x3FB2]  }
0x2a: {  	p0 =	seq.s32 s5, $0x0;
	s5 =	sld [smem:$0x3FB3]  }
0x2b: {  	s6 =	sld [smem:$0x3FB4]  }
0x2c: {  	s7 =	sld [smem:$0x3FB5]  }
0x2d: {  	s3 =	simm.s32 $0x108;
	s8 =	sld [smem:$0x3FB6]  }
0x2e: {  	s3 =	simm.s32 @!p0 $0x1082;
	s9 =	sld [smem:$0x3FB7]  }
0x2f: {  	lr =	sadd.s32 s0, s3;
	s0 =	sld [smem:$0x3FAE]  }
0x30: {  	s3 =	sld [smem:$0x3FB1]  }
0x31: {  	[smem:$0x3FBA] =	sst s10  }
0x32: {  	s10 =	sld [smem:$0x3FB8];
	_ =	sdelay $0x3  }
0x33: {  	p0 =	seq.s32 s10, $0x1;
	s10 =	sld [smem:$0x3FBA];
	_ =	sdelay $0x3  }
0x34: {  	[smem:$0x3FBA] =	sst s10  }
0x35: {  	s10 =	sld [smem:$0x3FB9];
	_ =	sdelay $0x3  }
0x36: {  	p1 =	seq.s32 s10, $0x1;
	s10 =	sld [smem:$0x3FBA];
	_ =	sdelay $0x3  }
0x37: {  	[smem:$0x3FBA] =	sst s10  }
0x38: {  	s10 =	sld [smem:$0x3FBB]  }
0x39: {  	_ = 	snop;
	(pc) =	sbr.ind lr, $3  }
0x3a: {  	_ = 	snop  }
0x3b: {  	_ = 	snop  }
0x3c: {  	p2 =	seq.s32 s10, $0x1;
	s10 =	sld [smem:$0x3FBA]  }
0x3d: {  	_ =	shalt  }
0x3e: {  	_ =	shalt  }
0x3f: {  	_ =	shalt  }
0x40: {  	_ =	shalt  }
0x41: {  	_ =	shalt  }
0x42: {  	_ =	shalt  }
0x43: {  	_ =	shalt  }
0x44: {  	_ =	shalt  }
0x45: {  	_ =	shalt  }
0x46: {  	_ =	shalt  }
0x47: {  	_ =	shalt  }
0x48: {  	_ =	shalt  }
0x49: {  	_ =	shalt  }
0x4a: {  	_ =	shalt  }
0x4b: {  	_ =	shalt  }
0x4c: {  	_ =	shalt  }
0x4d: {  	_ =	shalt  }
0x4e: {  	_ =	shalt  }
0x4f: {  	_ =	shalt  }
0x50: {  	_ =	shalt  }
0x51: {  	_ =	shalt  }
0x52: {  	_ =	shalt  }
0x53: {  	_ =	shalt  }
0x54: {  	_ =	shalt  }
0x55: {  	_ =	shalt  }
0x56: {  	_ =	shalt  }
0x57: {  	_ =	shalt  }
0x58: {  	_ =	shalt  }
0x59: {  	_ =	shalt  }
0x5a: {  	_ =	shalt  }
0x5b: {  	_ =	shalt  }
0x5c: {  	_ =	shalt  }
0x5d: {  	_ =	shalt  }
0x5e: {  	_ =	shalt  }
0x5f: {  	_ =	shalt  }
0x60: {  	_ =	shalt  }
0x61: {  	_ =	shalt  }
0x62: {  	_ =	shalt  }
0x63: {  	_ =	shalt  }
0x64: {  	_ =	shalt  }
0x65: {  	_ =	shalt  }
0x66: {  	_ =	shalt  }
0x67: {  	_ =	shalt  }
0x68: {  	_ =	shalt  }
0x69: {  	_ =	shalt  }
0x6a: {  	_ =	shalt  }
0x6b: {  	_ =	shalt  }
0x6c: {  	_ =	shalt  }
0x6d: {  	_ =	shalt  }
0x6e: {  	_ =	shalt  }
0x6f: {  	_ =	shalt  }
0x70: {  	_ =	shalt  }
0x71: {  	_ =	shalt  }
0x72: {  	_ =	shalt  }
0x73: {  	_ =	shalt  }
0x74: {  	_ =	shalt  }
0x75: {  	_ =	shalt  }
0x76: {  	_ =	shalt  }
0x77: {  	_ =	shalt  }
0x78: {  	_ =	shalt  }
0x79: {  	_ =	shalt  }
0x7a: {  	_ =	shalt  }
0x7b: {  	_ =	shalt  }
0x7c: {  	_ =	shalt  }
0x7d: {  	_ =	shalt  }
0x7e: {  	_ =	shalt  }
0x7f: {  	_ =	shalt  }
0x80: {  	_ =	shalt  }
0x81: {  	_ =	shalt  }
0x82: {  	_ =	shalt  }
0x83: {  	_ =	shalt  }
0x84: {  	_ =	shalt  }
0x85: {  	_ =	shalt  }
0x86: {  	_ =	shalt  }
0x87: {  	_ =	shalt  }
.Lfunc_end0:
.L_simem_size_0:
called_computation.5_lowered:
.L_overlay_start_0:
0x88: {  	s2 =	sld [smem:$0x3FD9]  }
0x89: {  	s3 =	sld [smem:$0x3FFE];
	_ =	sdelay $0x1  }
0x8a: {  	s1 =	srdreg.scid  }
0x8b: {  	s0 =	sand.u32 $0x1, s1  }
0x8c: {  	s17 =	sshll.u32 s0, $0xA;
	s2 =	sadd.s32 s3, s2  }
0x8d: {  	s2 =	sadd.s32 s2, s17  }
0x8e: {  	[smem:$0x3FC6] =	sst s2  }
0x8f: {  	_ = 	snop  }
0x90: {  	(tm) =	ssettm $0x1  }
0x91: {  	s18 =	sld [smem:$0x3FFB];
	_ =	sdelay $0x3  }
0x92: {  	_ =	strace s18  }
0x93: {  	s2 =	sld [smem:$0x3FFC];
	_ =	sdelay $0x3  }
0x94: {  	_ =	strace s2  }
0x95: {  	s2 =	sld [smem:$0x3FFD];
	_ =	sdelay $0x3  }
0x96: {  	_ =	strace s2  }
0x97: {  	_ =	strace $0x8FFFFFFF  }
0x98: {  	s19 =	sld [smem:$0x3FDB];
	_ =	sdelay $0x1  }
0x99: {  	s20 =	simm.s32 $_scs_section_size  }
0x9a: {  	s4 =	simm.s32 $_size__tile_overlayer_lowered;
	s5 =	simm.s32 $_tile_overlayer_lowered  }
0x9b: {  	s6 =	simm.s32 $0x1BFF;
	s21 =	sshll.u32 s5, $0x1;
	s3 =	sadd.s32 s20, s19  }
0x9c: {  	s22 =	simm.s32 $0x0;
	s4 =	sshll.u32 s4, $0x1;
	s5 =	sadd.s32 s21, s3  }
0x9d: {  	[timem:s22], [sflag:s6] =	dma.local [hbm:s5], s4  }
0x9e: {  	_ =	swait.ge [sflag:s6], s4  }
0x9f: {  	s4 =	ssub.s32 $0x0, s4;
	[sflag:s6] =	ssyncset.done $0x0  }
0xa0: {  	[sflag:s6] =	ssyncadd.s32 s4;
	_ =	sdelay $0x1  }
0xa1: {  	s23 =	simm.s32 $0x1B8B  }
0xa2: {  	_ =	swait.ge [sflag:s23], $0x1  }
0xa3: {  	[sflag:s23] =	ssyncset.done $0x0  }
0xa4: {  	[sflag:s23] =	ssyncadd.s32 $0xFFFFFFFF  }
0xa5: {  	s4 =	sld [smem:$0x0]  }
0xa6: {  	s5 =	sand.u32 $0xFFFFFFFE, s1  }
0xa7: {  	p0 =	sne.s32 s1, s5  }
0xa8: {  	s5 =	sshll.u32 @p0 s5, $0xE  }
0xa9: {  	s5 =	sadd.s32 @p0 $0x11B8D, s5;
	s6 =	sshll.u32 @p0 s4, $0x11  }
0xaa: {  	s5 =	sor.u32 @p0 s6, s5  }
0xab: {  	[sflag:s5] =	ssyncadd.remote.s32 @p0 $0x1;
	_ =	sdelay $0x1  }
0xac: {  	s5 =	simm.s32 @p0 $0x1B8D  }
0xad: {  	_ =	swait.eq @p0 [sflag:s5], $0x1  }
0xae: {  	[sflag:s5] =	ssyncadd.s32 @p0 $0xFFFFFFFF  }
0xaf: {  	s6 =	sshll.u32 @!p0 s1, $0xE  }
0xb0: {  	s6 =	sor.u32 @!p0 $0x4000, s6;
	s5 =	simm.s32 @!p0 $0x1B8D  }
0xb1: {  	s4 =	sshll.u32 @!p0 s4, $0x11;
	s6 =	sadd.s32 @!p0 $0x11B8D, s6;
	_ =	swait.eq @!p0 [sflag:s5], $0x1  }
0xb2: {  	s4 =	sor.u32 @!p0 s4, s6;
	[sflag:s5] =	ssyncadd.s32 @!p0 $0xFFFFFFFF  }
0xb3: {  	s25 =	simm.s32 $0x1B8E;
	s24 =	sld [smem:$0x3FFE];
	[sflag:s4] =	ssyncadd.remote.s32 @!p0 $0x1  }
0xb4: {  	s26 =	simm.s32 $execute0_lowered;
	[smem:$0x3FD2] =	sst s25  }
0xb5: {  	s5 =	sshll.u32 s26, $0x1;
	_ =	strace $0x8000004C;
	[dreg:$0x1] =	wrdreg $0xFFFFFFFF  }
0xb6: {  	s28 =	simm.s32 $_size_execute0_lowered;
	s3 =	sadd.s32 s3, s5;
	[dreg:$0x0] =	wrdreg $0x0  }
0xb7: {  	s5 =	sshll.u32 s28, $0x1;
	[dreg:$0x2] =	wrdreg s3  }
0xb8: {  	[dreg:$0x3] =	wrdreg s5  }
0xb9: {  	[dreg:$0x4] =	wrdreg $0xC0  }
0xba: {  	_ =	task [dreg:s22], $0x5FFFF  }
0xbb: {  	[dreg:$0x1] =	wrdreg $0xFFFFFFFF  }
0xbc: {  	[dreg:$0x0] =	wrdreg $0x60  }
0xbd: {  	[dreg:$0x2] =	wrdreg s24  }
0xbe: {  	[dreg:$0x3] =	wrdreg $0xE  }
0xbf: {  	_ =	task.clear_ibuf [dreg:s22], $0x4FFFF;
	_ =	strace $0x9000004C  }
0xc0: {  	s29 =	simm.s32 $0xE;
	_ =	strace $0x8000004E  }
0xc1: {  	_ =	swait.ge [sflag:s29], $0x1  }
0xc2: {  	[sflag:s29] =	ssyncadd.s32 $0xFFFFFFFF  }
0xc3: {  	_ =	strace $0x9000004E  }
0xc4: {  	_ =	sfence  }
0xc5: {  	s30 =	sld [smem:$0x0];
	_ =	sdelay $0x2  }
0xc6: {  	s31 =	sshll.u32 s1, $0xD;
	s1 =	sshrl.u32 s1, $0x2  }
0xc7: {  	s4 =	sand.u32 $0x4000, s31;
	s1 =	sadd.s32 s1, s30  }
0xc8: {  	s0 =	sor.u32 s4, s0;
	s1 =	sshll.u32 s1, $0x11  }
0xc9: {  	s0 =	sor.u32 s1, s0  }
0xca: {  	s0 =	sadd.s32 $0x8F2B, s0  }
0xcb: {  	[sflag:s0] =	ssyncadd.remote.s32 $0x1  }
0xcc: {  	_ =	sfence.sel $0xFFFF  }
0xcd: {  	[dreg:$0x0] =	wrdreg $0xFFFFFFFF;
	(pc) =	sbr.abs _section_cstart, $3  }
0xce: {  	[dreg:$0x1] =	wrdreg $0xFFFFFFFF  }
0xcf: {  	_ =	task.clear_ibuf [dreg:s22], $0x2FFFF;
	_ =	strace $0x9FFFFFFF  }
0xd0: {  	(tm) =	ssettm $0x7FFFFFFF  }
0xd1: {  	_ =	shalt  }
tec
execute0_lowered:
.L_overlay_start_1:
0x0: {  	(tag) =	ssettag $0x1  }
0x1: {  	s1 =	srdreg.scid;
	s0 =	stileid.u32  }
0x2: {  	s6 =	sand.u32 $0x1, s1;
	s30 =	sshll.u32 s0, $0x1  }
0x3: {  	s8 =	rddreg [dreg:$0x0];
	s7 =	sor.u32 s6, s30  }
0x4: {  	s2 =	simm.s32 $0x0;
	s1 =	rddreg [dreg:$0x1];
	s3 =	smul.u32 $0x190, s7  }
0x5: {  	[smem:$0x7FF] =	sst s2;
	s5 =	sadd.s32 $0x2D200, s8  }
0x6: {  	_ =	strace $0x8000004D;
	s10 =	ssub.s32 $0x2, s6;
	s3 =	sadd.s32 s3, s8  }
0x7: {  	s6 =	simm.s32 $0xC80;
	s4 =	sadd.s32 $0x12000, s3;
	s3 =	simm.s32 $0x2  }
0x8: {  	[tilespmem:s2], [sflag:$0x2] =	stream.linear.gather [hbm4b:s4+s2], $0xC80, $0x38;
	[tilespmem:$0x19C80] =	vst v63  }
0x9: {  	s9 =	smul.u32 $0x3200, s7;
	s11 =	sshrl.u32 s10, $0x1;
	_ =	swait.ge [sflag:s3], $0xC80  }
0xa: {  	s7 =	simm.s32 $0x1;
	s31 =	ssub.s32 s10, s11;
	[sflag:s3] =	ssyncset.done $0x0  }
0xb: {  	s8 =	sadd.s32 s9, s8;
	s9 =	smax.u32 s31, $0x1;
	[sflag:s3] =	ssyncadd.s32 $0xFFFFF380  }
0xc: {  	[tilespmem:s6], [sflag:$0x1] =	stream.indirect.gather [hbm4b:s5+s6], $0x20, s2, s6, $0xb8;
	[tilespmem:$0x19C80] =	vst v63  }
0xd: {  	p0 =	sne.s32 s9, $0x1;
	_ =	swait.ge [sflag:s7], $0x19000  }
.Ltmp0:
0xe: {  	[sflag:s7] =	ssyncset.done $0x0;
	(pc) =	sbr.rel @!p0 .LBB2_2-.Ltmp0, $4  }
0xf: {  	s8 =	sadd.s32 $0x4D8400, s8;
	[sflag:s7] =	ssyncadd.s32 $0xFFFE7000  }
0x10: {  	[hbm4b:s8+s2] =	stream.linear.scatter [tilespmem:s6], [sflag:$0x2], $0x19000, $0x38;
	[tilespmem:$0x19C80] =	vst v63  }
0x11: {  	_ =	swait.ge [sflag:s3], $0x19000  }
0x12: {  	s9 =	sadd.s32 $0xFFFFFFFF, s9;
	[sflag:s3] =	ssyncset.done $0x0  }
.LBB2_1:
0x13: {  	p0 =	sne.s32 s9, $0x1;
	s9 =	sadd.s32 $0xFFFFFFFF, s9;
	[sflag:s3] =	ssyncadd.s32 $0xFFFE7000  }
0x14: {  	[tilespmem:s2], [sflag:$0x2] =	stream.linear.gather [hbm4b:s4+s2], $0xC80, $0x38;
	[tilespmem:$0x19C80] =	vst v63  }
0x15: {  	_ =	swait.ge [sflag:s3], $0xC80  }
0x16: {  	[sflag:s3] =	ssyncset.done $0x0  }
0x17: {  	[sflag:s3] =	ssyncadd.s32 $0xFFFFF380  }
0x18: {  	[tilespmem:s6], [sflag:$0x1] =	stream.indirect.gather [hbm4b:s5+s6], $0x20, s2, s6, $0xb8;
	[tilespmem:$0x19C80] =	vst v63  }
0x19: {  	_ =	swait.ge [sflag:s7], $0x19000  }
.Ltmp1:
0x1a: {  	[sflag:s7] =	ssyncset.done $0x0;
	(pc) =	sbr.rel @p0 .LBB2_1-.Ltmp1, $4  }
0x1b: {  	[sflag:s7] =	ssyncadd.s32 $0xFFFE7000  }
0x1c: {  	[hbm4b:s8+s2] =	stream.linear.scatter [tilespmem:s6], [sflag:$0x2], $0x19000, $0x38;
	[tilespmem:$0x19C80] =	vst v63  }
0x1d: {  	_ =	swait.ge [sflag:s3], $0x19000  }
0x1e: {  	[sflag:s3] =	ssyncset.done $0x0  }
.LBB2_2:
0x1f: {  	[sflag:s3] =	ssyncadd.s32 $0xFFFE7000  }
0x20: {  	_ =	sfence.sel $0x180000  }
0x21: {  	[bflag:$0x0] =	sbarrier.arrive $0xFFFF  }
0x22: {  	p0 =	sne.s32 s0, $0x0;
	_ =	strace $0x9000004D  }
0x23: {  	s0 =	sadd.s32 @!p0 $0x100000, s1;
	[bflag:$0x2] =	sbarrier.arrive $0xFFFF  }
0x24: {  	[sflag:s0] =	ssyncadd.tile.s32 @!p0 $0x1;
	_ =	shalt  }
.Lfunc_end2:
_tile_overlayer_lowered:
.L_overlay_start_2:
0x25: {  	(tag) =	ssettag $0x2  }
0x26: {  	s0 =	rddreg [dreg:$0x0];
	s2 =	stileid.u32  }
0x27: {  	s1 =	rddreg [dreg:$0x1];
	p0 =	sne.s32 s2, $0x0  }
0x28: {  	s3 =	rddreg [dreg:$0x2];
	[bflag:$0x3] =	sbarrier.arrive $0xFFFF;
	s2 =	simm.s32 @!p0 $0x1C02  }
0x29: {  	[timem:s3], [sflag:s2] =	dma.local @!p0 [hbm:s0], s1  }
0x2a: {  	s0 =	simm.s32 @!p0 $0x2  }
0x2b: {  	_ =	swait.ge @!p0 [sflag:s0], s1  }
0x2c: {  	s1 =	ssub.s32 @!p0 $0x0, s1;
	[sflag:s0] =	ssyncset.done @!p0 $0x0  }
0x2d: {  	[sflag:s0] =	ssyncadd.s32 @!p0 s1  }
0x2e: {  	[bflag:$0x3] =	sbarrier.arrive $0xFFFF  }
0x2f: {  	_ =	shalt  }

// kernel: kernel.37.cloned.1.call-start
scs
__scs_entry_jumppad:
0x0: {  	(pc) =	sbr.rel $0x88, $3  }
0x1: {  	(tag) =	ssettag $0x0;
	lr =	simm.s32 $0x1  }
0x2: {  	[smem:$0x3F9F] =	sst lr;
	_ =	strace $0xD0000000  }
0x3: {  	_ = 	snop  }
0x4: {  	_ = 	snop  }
0x5: {  	_ = 	snop  }
0x6: {  	_ = 	snop  }
0x7: {  	_ = 	snop  }
__scs_overlays_trampoline_lowered:
0x8: {  	[smem:$0x3FAE] =	sst s0  }
0x9: {  	[smem:$0x3FAF] =	sst s1  }
0xa: {  	[smem:$0x3FB0] =	sst s2  }
0xb: {  	[smem:$0x3FB1] =	sst s3  }
0xc: {  	[smem:$0x3FB2] =	sst s4  }
0xd: {  	[smem:$0x3FB3] =	sst s5  }
0xe: {  	[smem:$0x3FB4] =	sst s6  }
0xf: {  	[smem:$0x3FB5] =	sst s7  }
0x10: {  	[smem:$0x3FB6] =	sst s8  }
0x11: {  	[smem:$0x3FB7] =	sst s9;
	s0 =	simm.s32 @!p0 $0x0  }
0x12: {  	s1 =	sld [smem:$0x3F9D];
	s0 =	simm.s32 @p0 $0x1  }
0x13: {  	[smem:$0x3FB8] =	sst s0;
	s0 =	simm.s32 @!p1 $0x0  }
0x14: {  	s2 =	sld [smem:$0x3F9C];
	s0 =	simm.s32 @p1 $0x1  }
0x15: {  	[smem:$0x3FB9] =	sst s0;
	s0 =	simm.s32 @!p2 $0x0  }
0x16: {  	s3 =	sld [smem:$0x3FDB];
	s0 =	simm.s32 @p2 $0x1  }
0x17: {  	s4 =	simm.s32 $0x1BF5;
	[smem:$0x3FBB] =	sst s0  }
0x18: {  	s0 =	sld [smem:$0x3F9E];
	_ =	swait.ge [sflag:s4], $0x0  }
0x19: {  	s7 =	sld [smem:$0x3F9F]  }
0x1a: {  	s8 =	sadd.s32 $0xFFFFE003, lr  }
0x1b: {  	s9 =	sadd.s32 $0xFFFFFEF7, lr;
	s5 =	simm.s32 $0xFFFFFFFF;
	p2 =	slt.u32 s8, $0xFFFFF086  }
0x1c: {  	p1 =	slt.u32 s9, $0xF7A;
	s5 =	simm.s32 @!p2 $0x0  }
0x1d: {  	s5 =	simm.s32 @p1 $0x1;
	p0 =	seq.s32 s7, s2  }
0x1e: {  	s7 =	smul.u32 @!p0 $0xF7A, s2;
	p2 =	seq.s32 @!p0 s5, $0x0  }
0x1f: {  	s9 =	smul.u32 $0xF7A, s1;
	s8 =	simm.s32 @!p0 $0x1BF5;
	p2 =	por !p2, p0  }
0x20: {  	[sflag:s8] =	ssyncset.s32 @!p0 $0xFFFFF086;
	s6 =	sadd.s32 @!p0 s3, s7;
	s7 =	simm.s32 @!p0 $0x108  }
0x21: {  	s3 =	sadd.s32 s3, s9;
	s6 =	sadd.s32 @!p0 $0x88, s6;
	s7 =	simm.s32 @p2 $0x1082  }
0x22: {  	[simem:s7], [sflag:s8] =	dma.local @!p0 [hbm:s6], $0xF7A  }
0x23: {  	s9 =	sor.u32 $0xD0000000, s2;
	s6 =	simm.s32 $0x108;
	_ =	swait.ge @!p0 [sflag:s8], $0x0  }
0x24: {  	s3 =	sadd.s32 $0x88, s3;
	s6 =	simm.s32 @!p1 $0x1082;
	[sflag:s4] =	ssyncset.s32 $0xFFFFF086  }
0x25: {  	[simem:s6], [sflag:s4] =	dma.local [hbm:s3], $0xF7A  }
0x26: {  	[smem:$0x3F9F] =	sst s1;
	(tag) =	ssettag s2;
	_ =	strace s9  }
0x27: {  	s1 =	sld [smem:$0x3FAF]  }
0x28: {  	s2 =	sld [smem:$0x3FB0]  }
0x29: {  	s4 =	sld [smem:$0x3FB2]  }
0x2a: {  	p0 =	seq.s32 s5, $0x0;
	s5 =	sld [smem:$0x3FB3]  }
0x2b: {  	s6 =	sld [smem:$0x3FB4]  }
0x2c: {  	s7 =	sld [smem:$0x3FB5]  }
0x2d: {  	s3 =	simm.s32 $0x108;
	s8 =	sld [smem:$0x3FB6]  }
0x2e: {  	s3 =	simm.s32 @!p0 $0x1082;
	s9 =	sld [smem:$0x3FB7]  }
0x2f: {  	lr =	sadd.s32 s0, s3;
	s0 =	sld [smem:$0x3FAE]  }
0x30: {  	s3 =	sld [smem:$0x3FB1]  }
0x31: {  	[smem:$0x3FBA] =	sst s10  }
0x32: {  	s10 =	sld [smem:$0x3FB8];
	_ =	sdelay $0x3  }
0x33: {  	p0 =	seq.s32 s10, $0x1;
	s10 =	sld [smem:$0x3FBA];
	_ =	sdelay $0x3  }
0x34: {  	[smem:$0x3FBA] =	sst s10  }
0x35: {  	s10 =	sld [smem:$0x3FB9];
	_ =	sdelay $0x3  }
0x36: {  	p1 =	seq.s32 s10, $0x1;
	s10 =	sld [smem:$0x3FBA];
	_ =	sdelay $0x3  }
0x37: {  	[smem:$0x3FBA] =	sst s10  }
0x38: {  	s10 =	sld [smem:$0x3FBB]  }
0x39: {  	_ = 	snop;
	(pc) =	sbr.ind lr, $3  }
0x3a: {  	_ = 	snop  }
0x3b: {  	_ = 	snop  }
0x3c: {  	p2 =	seq.s32 s10, $0x1;
	s10 =	sld [smem:$0x3FBA]  }
0x3d: {  	_ =	shalt  }
0x3e: {  	_ =	shalt  }
0x3f: {  	_ =	shalt  }
0x40: {  	_ =	shalt  }
0x41: {  	_ =	shalt  }
0x42: {  	_ =	shalt  }
0x43: {  	_ =	shalt  }
0x44: {  	_ =	shalt  }
0x45: {  	_ =	shalt  }
0x46: {  	_ =	shalt  }
0x47: {  	_ =	shalt  }
0x48: {  	_ =	shalt  }
0x49: {  	_ =	shalt  }
0x4a: {  	_ =	shalt  }
0x4b: {  	_ =	shalt  }
0x4c: {  	_ =	shalt  }
0x4d: {  	_ =	shalt  }
0x4e: {  	_ =	shalt  }
0x4f: {  	_ =	shalt  }
0x50: {  	_ =	shalt  }
0x51: {  	_ =	shalt  }
0x52: {  	_ =	shalt  }
0x53: {  	_ =	shalt  }
0x54: {  	_ =	shalt  }
0x55: {  	_ =	shalt  }
0x56: {  	_ =	shalt  }
0x57: {  	_ =	shalt  }
0x58: {  	_ =	shalt  }
0x59: {  	_ =	shalt  }
0x5a: {  	_ =	shalt  }
0x5b: {  	_ =	shalt  }
0x5c: {  	_ =	shalt  }
0x5d: {  	_ =	shalt  }
0x5e: {  	_ =	shalt  }
0x5f: {  	_ =	shalt  }
0x60: {  	_ =	shalt  }
0x61: {  	_ =	shalt  }
0x62: {  	_ =	shalt  }
0x63: {  	_ =	shalt  }
0x64: {  	_ =	shalt  }
0x65: {  	_ =	shalt  }
0x66: {  	_ =	shalt  }
0x67: {  	_ =	shalt  }
0x68: {  	_ =	shalt  }
0x69: {  	_ =	shalt  }
0x6a: {  	_ =	shalt  }
0x6b: {  	_ =	shalt  }
0x6c: {  	_ =	shalt  }
0x6d: {  	_ =	shalt  }
0x6e: {  	_ =	shalt  }
0x6f: {  	_ =	shalt  }
0x70: {  	_ =	shalt  }
0x71: {  	_ =	shalt  }
0x72: {  	_ =	shalt  }
0x73: {  	_ =	shalt  }
0x74: {  	_ =	shalt  }
0x75: {  	_ =	shalt  }
0x76: {  	_ =	shalt  }
0x77: {  	_ =	shalt  }
0x78: {  	_ =	shalt  }
0x79: {  	_ =	shalt  }
0x7a: {  	_ =	shalt  }
0x7b: {  	_ =	shalt  }
0x7c: {  	_ =	shalt  }
0x7d: {  	_ =	shalt  }
0x7e: {  	_ =	shalt  }
0x7f: {  	_ =	shalt  }
0x80: {  	_ =	shalt  }
0x81: {  	_ =	shalt  }
0x82: {  	_ =	shalt  }
0x83: {  	_ =	shalt  }
0x84: {  	_ =	shalt  }
0x85: {  	_ =	shalt  }
0x86: {  	_ =	shalt  }
0x87: {  	_ =	shalt  }
.Lfunc_end0:
.L_simem_size_0:
called_computation.6_lowered:
.L_overlay_start_0:
0x88: {  	s2 =	sld [smem:$0x3FD9]  }
0x89: {  	s3 =	sld [smem:$0x3FFE];
	_ =	sdelay $0x1  }
0x8a: {  	s1 =	srdreg.scid  }
0x8b: {  	s0 =	sand.u32 $0x1, s1  }
0x8c: {  	s17 =	sshll.u32 s0, $0xA;
	s2 =	sadd.s32 s3, s2  }
0x8d: {  	s2 =	sadd.s32 s2, s17  }
0x8e: {  	[smem:$0x3FC6] =	sst s2  }
0x8f: {  	_ = 	snop  }
0x90: {  	(tm) =	ssettm $0x1  }
0x91: {  	s18 =	sld [smem:$0x3FFB];
	_ =	sdelay $0x3  }
0x92: {  	_ =	strace s18  }
0x93: {  	s2 =	sld [smem:$0x3FFC];
	_ =	sdelay $0x3  }
0x94: {  	_ =	strace s2  }
0x95: {  	s2 =	sld [smem:$0x3FFD];
	_ =	sdelay $0x3  }
0x96: {  	_ =	strace s2  }
0x97: {  	_ =	strace $0x8FFFFFFF  }
0x98: {  	s19 =	sld [smem:$0x3FDB];
	_ =	sdelay $0x1  }
0x99: {  	s20 =	simm.s32 $_scs_section_size  }
0x9a: {  	s4 =	simm.s32 $_size__tile_overlayer_lowered;
	s5 =	simm.s32 $_tile_overlayer_lowered  }
0x9b: {  	s6 =	simm.s32 $0x1BFF;
	s21 =	sshll.u32 s5, $0x1;
	s3 =	sadd.s32 s20, s19  }
0x9c: {  	s22 =	simm.s32 $0x0;
	s4 =	sshll.u32 s4, $0x1;
	s5 =	sadd.s32 s21, s3  }
0x9d: {  	[timem:s22], [sflag:s6] =	dma.local [hbm:s5], s4  }
0x9e: {  	_ =	swait.ge [sflag:s6], s4  }
0x9f: {  	s4 =	ssub.s32 $0x0, s4;
	[sflag:s6] =	ssyncset.done $0x0  }
0xa0: {  	[sflag:s6] =	ssyncadd.s32 s4;
	_ =	sdelay $0x1  }
0xa1: {  	s23 =	simm.s32 $0x1B8B  }
0xa2: {  	_ =	swait.ge [sflag:s23], $0x1  }
0xa3: {  	[sflag:s23] =	ssyncset.done $0x0  }
0xa4: {  	[sflag:s23] =	ssyncadd.s32 $0xFFFFFFFF  }
0xa5: {  	s4 =	sld [smem:$0x0]  }
0xa6: {  	s5 =	sand.u32 $0xFFFFFFFE, s1  }
0xa7: {  	p0 =	sne.s32 s1, s5  }
0xa8: {  	s5 =	sshll.u32 @p0 s5, $0xE  }
0xa9: {  	s5 =	sadd.s32 @p0 $0x11B8D, s5;
	s6 =	sshll.u32 @p0 s4, $0x11  }
0xaa: {  	s5 =	sor.u32 @p0 s6, s5  }
0xab: {  	[sflag:s5] =	ssyncadd.remote.s32 @p0 $0x1;
	_ =	sdelay $0x1  }
0xac: {  	s5 =	simm.s32 @p0 $0x1B8D  }
0xad: {  	_ =	swait.eq @p0 [sflag:s5], $0x1  }
0xae: {  	[sflag:s5] =	ssyncadd.s32 @p0 $0xFFFFFFFF  }
0xaf: {  	s6 =	sshll.u32 @!p0 s1, $0xE  }
0xb0: {  	s6 =	sor.u32 @!p0 $0x4000, s6;
	s5 =	simm.s32 @!p0 $0x1B8D  }
0xb1: {  	s4 =	sshll.u32 @!p0 s4, $0x11;
	s6 =	sadd.s32 @!p0 $0x11B8D, s6;
	_ =	swait.eq @!p0 [sflag:s5], $0x1  }
0xb2: {  	s4 =	sor.u32 @!p0 s4, s6;
	[sflag:s5] =	ssyncadd.s32 @!p0 $0xFFFFFFFF  }
0xb3: {  	s25 =	simm.s32 $0x1B8E;
	s24 =	sld [smem:$0x3FFE];
	[sflag:s4] =	ssyncadd.remote.s32 @!p0 $0x1  }
0xb4: {  	s26 =	simm.s32 $execute0_lowered;
	[smem:$0x3FD2] =	sst s25  }
0xb5: {  	s5 =	sshll.u32 s26, $0x1;
	_ =	strace $0x80000049;
	[dreg:$0x1] =	wrdreg $0xFFFFFFFF  }
0xb6: {  	s28 =	simm.s32 $_size_execute0_lowered;
	s3 =	sadd.s32 s3, s5;
	[dreg:$0x0] =	wrdreg $0x0  }
0xb7: {  	s5 =	sshll.u32 s28, $0x1;
	[dreg:$0x2] =	wrdreg s3  }
0xb8: {  	[dreg:$0x3] =	wrdreg s5  }
0xb9: {  	[dreg:$0x4] =	wrdreg $0xC0  }
0xba: {  	_ =	task [dreg:s22], $0x5FFFF  }
0xbb: {  	[dreg:$0x1] =	wrdreg $0xFFFFFFFF  }
0xbc: {  	[dreg:$0x0] =	wrdreg $0x60  }
0xbd: {  	[dreg:$0x2] =	wrdreg s24  }
0xbe: {  	[dreg:$0x3] =	wrdreg $0xF  }
0xbf: {  	_ =	task.clear_ibuf [dreg:s22], $0x4FFFF;
	_ =	strace $0x90000049  }
0xc0: {  	s29 =	simm.s32 $0xF;
	_ =	strace $0x8000004B  }
0xc1: {  	_ =	swait.ge [sflag:s29], $0x1  }
0xc2: {  	[sflag:s29] =	ssyncadd.s32 $0xFFFFFFFF  }
0xc3: {  	_ =	strace $0x9000004B  }
0xc4: {  	_ =	sfence  }
0xc5: {  	s30 =	sld [smem:$0x0];
	_ =	sdelay $0x2  }
0xc6: {  	s31 =	sshll.u32 s1, $0xD;
	s1 =	sshrl.u32 s1, $0x2  }
0xc7: {  	s4 =	sand.u32 $0x4000, s31;
	s1 =	sadd.s32 s1, s30  }
0xc8: {  	s0 =	sor.u32 s4, s0;
	s1 =	sshll.u32 s1, $0x11  }
0xc9: {  	s0 =	sor.u32 s1, s0  }
0xca: {  	s0 =	sadd.s32 $0x8F2B, s0  }
0xcb: {  	[sflag:s0] =	ssyncadd.remote.s32 $0x1  }
0xcc: {  	_ =	sfence.sel $0xFFFF  }
0xcd: {  	[dreg:$0x0] =	wrdreg $0xFFFFFFFF;
	(pc) =	sbr.abs _section_cstart, $3  }
0xce: {  	[dreg:$0x1] =	wrdreg $0xFFFFFFFF  }
0xcf: {  	_ =	task.clear_ibuf [dreg:s22], $0x2FFFF;
	_ =	strace $0x9FFFFFFF  }
0xd0: {  	(tm) =	ssettm $0x7FFFFFFF  }
0xd1: {  	_ =	shalt  }
tec
execute0_lowered:
.L_overlay_start_1:
0x0: {  	(tag) =	ssettag $0x1  }
0x1: {  	s1 =	srdreg.scid;
	s0 =	stileid.u32  }
0x2: {  	s6 =	sand.u32 $0x1, s1;
	s30 =	sshll.u32 s0, $0x1  }
0x3: {  	s8 =	rddreg [dreg:$0x0];
	s7 =	sor.u32 s6, s30  }
0x4: {  	s2 =	simm.s32 $0x0;
	s1 =	rddreg [dreg:$0x1];
	s3 =	smul.u32 $0x190, s7  }
0x5: {  	[smem:$0x7FF] =	sst s2;
	s5 =	sadd.s32 $0x2D200, s8  }
0x6: {  	_ =	strace $0x8000004A;
	s10 =	ssub.s32 $0x2, s6;
	s3 =	sadd.s32 s3, s8  }
0x7: {  	s6 =	simm.s32 $0xC80;
	s4 =	sadd.s32 $0x471200, s3;
	s3 =	simm.s32 $0x2  }
0x8: {  	[tilespmem:s2], [sflag:$0x2] =	stream.linear.gather [hbm4b:s4+s2], $0xC80, $0x38;
	[tilespmem:$0x19C80] =	vst v63  }
0x9: {  	s9 =	smul.u32 $0x3200, s7;
	s11 =	sshrl.u32 s10, $0x1;
	_ =	swait.ge [sflag:s3], $0xC80  }
0xa: {  	s7 =	simm.s32 $0x1;
	s31 =	ssub.s32 s10, s11;
	[sflag:s3] =	ssyncset.done $0x0  }
0xb: {  	s8 =	sadd.s32 s9, s8;
	s9 =	smax.u32 s31, $0x1;
	[sflag:s3] =	ssyncadd.s32 $0xFFFFF380  }
0xc: {  	[tilespmem:s6], [sflag:$0x1] =	stream.indirect.gather [hbm4b:s5+s6], $0x20, s2, s6, $0xb8;
	[tilespmem:$0x19C80] =	vst v63  }
0xd: {  	p0 =	sne.s32 s9, $0x1;
	_ =	swait.ge [sflag:s7], $0x19000  }
.Ltmp0:
0xe: {  	[sflag:s7] =	ssyncset.done $0x0;
	(pc) =	sbr.rel @!p0 .LBB2_2-.Ltmp0, $4  }
0xf: {  	s8 =	sadd.s32 $0x474400, s8;
	[sflag:s7] =	ssyncadd.s32 $0xFFFE7000  }
0x10: {  	[hbm4b:s8+s2] =	stream.linear.scatter [tilespmem:s6], [sflag:$0x2], $0x19000, $0x38;
	[tilespmem:$0x19C80] =	vst v63  }
0x11: {  	_ =	swait.ge [sflag:s3], $0x19000  }
0x12: {  	s9 =	sadd.s32 $0xFFFFFFFF, s9;
	[sflag:s3] =	ssyncset.done $0x0  }
.LBB2_1:
0x13: {  	p0 =	sne.s32 s9, $0x1;
	s9 =	sadd.s32 $0xFFFFFFFF, s9;
	[sflag:s3] =	ssyncadd.s32 $0xFFFE7000  }
0x14: {  	[tilespmem:s2], [sflag:$0x2] =	stream.linear.gather [hbm4b:s4+s2], $0xC80, $0x38;
	[tilespmem:$0x19C80] =	vst v63  }
0x15: {  	_ =	swait.ge [sflag:s3], $0xC80  }
0x16: {  	[sflag:s3] =	ssyncset.done $0x0  }
0x17: {  	[sflag:s3] =	ssyncadd.s32 $0xFFFFF380  }
0x18: {  	[tilespmem:s6], [sflag:$0x1] =	stream.indirect.gather [hbm4b:s5+s6], $0x20, s2, s6, $0xb8;
	[tilespmem:$0x19C80] =	vst v63  }
0x19: {  	_ =	swait.ge [sflag:s7], $0x19000  }
.Ltmp1:
0x1a: {  	[sflag:s7] =	ssyncset.done $0x0;
	(pc) =	sbr.rel @p0 .LBB2_1-.Ltmp1, $4  }
0x1b: {  	[sflag:s7] =	ssyncadd.s32 $0xFFFE7000  }
0x1c: {  	[hbm4b:s8+s2] =	stream.linear.scatter [tilespmem:s6], [sflag:$0x2], $0x19000, $0x38;
	[tilespmem:$0x19C80] =	vst v63  }
0x1d: {  	_ =	swait.ge [sflag:s3], $0x19000  }
0x1e: {  	[sflag:s3] =	ssyncset.done $0x0  }
.LBB2_2:
0x1f: {  	[sflag:s3] =	ssyncadd.s32 $0xFFFE7000  }
0x20: {  	_ =	sfence.sel $0x180000  }
0x21: {  	[bflag:$0x0] =	sbarrier.arrive $0xFFFF  }
0x22: {  	p0 =	sne.s32 s0, $0x0;
	_ =	strace $0x9000004A  }
0x23: {  	s0 =	sadd.s32 @!p0 $0x100000, s1;
	[bflag:$0x2] =	sbarrier.arrive $0xFFFF  }
0x24: {  	[sflag:s0] =	ssyncadd.tile.s32 @!p0 $0x1;
	_ =	shalt  }
.Lfunc_end2:
_tile_overlayer_lowered:
.L_overlay_start_2:
0x25: {  	(tag) =	ssettag $0x2  }
0x26: {  	s0 =	rddreg [dreg:$0x0];
	s2 =	stileid.u32  }
0x27: {  	s1 =	rddreg [dreg:$0x1];
	p0 =	sne.s32 s2, $0x0  }
0x28: {  	s3 =	rddreg [dreg:$0x2];
	[bflag:$0x3] =	sbarrier.arrive $0xFFFF;
	s2 =	simm.s32 @!p0 $0x1C02  }
0x29: {  	[timem:s3], [sflag:s2] =	dma.local @!p0 [hbm:s0], s1  }
0x2a: {  	s0 =	simm.s32 @!p0 $0x2  }
0x2b: {  	_ =	swait.ge @!p0 [sflag:s0], s1  }
0x2c: {  	s1 =	ssub.s32 @!p0 $0x0, s1;
	[sflag:s0] =	ssyncset.done @!p0 $0x0  }
0x2d: {  	[sflag:s0] =	ssyncadd.s32 @!p0 s1  }
0x2e: {  	[bflag:$0x3] =	sbarrier.arrive $0xFFFF  }
0x2f: {  	_ =	shalt  }

// kernel: kernel.40.cloned.1.call-start
scs
__scs_entry_jumppad:
0x0: {  	(pc) =	sbr.rel $0x88, $3  }
0x1: {  	(tag) =	ssettag $0x0;
	lr =	simm.s32 $0x1  }
0x2: {  	[smem:$0x3F9F] =	sst lr;
	_ =	strace $0xD0000000  }
0x3: {  	_ = 	snop  }
0x4: {  	_ = 	snop  }
0x5: {  	_ = 	snop  }
0x6: {  	_ = 	snop  }
0x7: {  	_ = 	snop  }
__scs_overlays_trampoline_lowered:
0x8: {  	[smem:$0x3FAE] =	sst s0  }
0x9: {  	[smem:$0x3FAF] =	sst s1  }
0xa: {  	[smem:$0x3FB0] =	sst s2  }
0xb: {  	[smem:$0x3FB1] =	sst s3  }
0xc: {  	[smem:$0x3FB2] =	sst s4  }
0xd: {  	[smem:$0x3FB3] =	sst s5  }
0xe: {  	[smem:$0x3FB4] =	sst s6  }
0xf: {  	[smem:$0x3FB5] =	sst s7  }
0x10: {  	[smem:$0x3FB6] =	sst s8  }
0x11: {  	[smem:$0x3FB7] =	sst s9;
	s0 =	simm.s32 @!p0 $0x0  }
0x12: {  	s1 =	sld [smem:$0x3F9D];
	s0 =	simm.s32 @p0 $0x1  }
0x13: {  	[smem:$0x3FB8] =	sst s0;
	s0 =	simm.s32 @!p1 $0x0  }
0x14: {  	s2 =	sld [smem:$0x3F9C];
	s0 =	simm.s32 @p1 $0x1  }
0x15: {  	[smem:$0x3FB9] =	sst s0;
	s0 =	simm.s32 @!p2 $0x0  }
0x16: {  	s3 =	sld [smem:$0x3FDB];
	s0 =	simm.s32 @p2 $0x1  }
0x17: {  	s4 =	simm.s32 $0x1BF5;
	[smem:$0x3FBB] =	sst s0  }
0x18: {  	s0 =	sld [smem:$0x3F9E];
	_ =	swait.ge [sflag:s4], $0x0  }
0x19: {  	s7 =	sld [smem:$0x3F9F]  }
0x1a: {  	s8 =	sadd.s32 $0xFFFFE003, lr  }
0x1b: {  	s9 =	sadd.s32 $0xFFFFFEF7, lr;
	s5 =	simm.s32 $0xFFFFFFFF;
	p2 =	slt.u32 s8, $0xFFFFF086  }
0x1c: {  	p1 =	slt.u32 s9, $0xF7A;
	s5 =	simm.s32 @!p2 $0x0  }
0x1d: {  	s5 =	simm.s32 @p1 $0x1;
	p0 =	seq.s32 s7, s2  }
0x1e: {  	s7 =	smul.u32 @!p0 $0xF7A, s2;
	p2 =	seq.s32 @!p0 s5, $0x0  }
0x1f: {  	s9 =	smul.u32 $0xF7A, s1;
	s8 =	simm.s32 @!p0 $0x1BF5;
	p2 =	por !p2, p0  }
0x20: {  	[sflag:s8] =	ssyncset.s32 @!p0 $0xFFFFF086;
	s6 =	sadd.s32 @!p0 s3, s7;
	s7 =	simm.s32 @!p0 $0x108  }
0x21: {  	s3 =	sadd.s32 s3, s9;
	s6 =	sadd.s32 @!p0 $0x88, s6;
	s7 =	simm.s32 @p2 $0x1082  }
0x22: {  	[simem:s7], [sflag:s8] =	dma.local @!p0 [hbm:s6], $0xF7A  }
0x23: {  	s9 =	sor.u32 $0xD0000000, s2;
	s6 =	simm.s32 $0x108;
	_ =	swait.ge @!p0 [sflag:s8], $0x0  }
0x24: {  	s3 =	sadd.s32 $0x88, s3;
	s6 =	simm.s32 @!p1 $0x1082;
	[sflag:s4] =	ssyncset.s32 $0xFFFFF086  }
0x25: {  	[simem:s6], [sflag:s4] =	dma.local [hbm:s3], $0xF7A  }
0x26: {  	[smem:$0x3F9F] =	sst s1;
	(tag) =	ssettag s2;
	_ =	strace s9  }
0x27: {  	s1 =	sld [smem:$0x3FAF]  }
0x28: {  	s2 =	sld [smem:$0x3FB0]  }
0x29: {  	s4 =	sld [smem:$0x3FB2]  }
0x2a: {  	p0 =	seq.s32 s5, $0x0;
	s5 =	sld [smem:$0x3FB3]  }
0x2b: {  	s6 =	sld [smem:$0x3FB4]  }
0x2c: {  	s7 =	sld [smem:$0x3FB5]  }
0x2d: {  	s3 =	simm.s32 $0x108;
	s8 =	sld [smem:$0x3FB6]  }
0x2e: {  	s3 =	simm.s32 @!p0 $0x1082;
	s9 =	sld [smem:$0x3FB7]  }
0x2f: {  	lr =	sadd.s32 s0, s3;
	s0 =	sld [smem:$0x3FAE]  }
0x30: {  	s3 =	sld [smem:$0x3FB1]  }
0x31: {  	[smem:$0x3FBA] =	sst s10  }
0x32: {  	s10 =	sld [smem:$0x3FB8];
	_ =	sdelay $0x3  }
0x33: {  	p0 =	seq.s32 s10, $0x1;
	s10 =	sld [smem:$0x3FBA];
	_ =	sdelay $0x3  }
0x34: {  	[smem:$0x3FBA] =	sst s10  }
0x35: {  	s10 =	sld [smem:$0x3FB9];
	_ =	sdelay $0x3  }
0x36: {  	p1 =	seq.s32 s10, $0x1;
	s10 =	sld [smem:$0x3FBA];
	_ =	sdelay $0x3  }
0x37: {  	[smem:$0x3FBA] =	sst s10  }
0x38: {  	s10 =	sld [smem:$0x3FBB]  }
0x39: {  	_ = 	snop;
	(pc) =	sbr.ind lr, $3  }
0x3a: {  	_ = 	snop  }
0x3b: {  	_ = 	snop  }
0x3c: {  	p2 =	seq.s32 s10, $0x1;
	s10 =	sld [smem:$0x3FBA]  }
0x3d: {  	_ =	shalt  }
0x3e: {  	_ =	shalt  }
0x3f: {  	_ =	shalt  }
0x40: {  	_ =	shalt  }
0x41: {  	_ =	shalt  }
0x42: {  	_ =	shalt  }
0x43: {  	_ =	shalt  }
0x44: {  	_ =	shalt  }
0x45: {  	_ =	shalt  }
0x46: {  	_ =	shalt  }
0x47: {  	_ =	shalt  }
0x48: {  	_ =	shalt  }
0x49: {  	_ =	shalt  }
0x4a: {  	_ =	shalt  }
0x4b: {  	_ =	shalt  }
0x4c: {  	_ =	shalt  }
0x4d: {  	_ =	shalt  }
0x4e: {  	_ =	shalt  }
0x4f: {  	_ =	shalt  }
0x50: {  	_ =	shalt  }
0x51: {  	_ =	shalt  }
0x52: {  	_ =	shalt  }
0x53: {  	_ =	shalt  }
0x54: {  	_ =	shalt  }
0x55: {  	_ =	shalt  }
0x56: {  	_ =	shalt  }
0x57: {  	_ =	shalt  }
0x58: {  	_ =	shalt  }
0x59: {  	_ =	shalt  }
0x5a: {  	_ =	shalt  }
0x5b: {  	_ =	shalt  }
0x5c: {  	_ =	shalt  }
0x5d: {  	_ =	shalt  }
0x5e: {  	_ =	shalt  }
0x5f: {  	_ =	shalt  }
0x60: {  	_ =	shalt  }
0x61: {  	_ =	shalt  }
0x62: {  	_ =	shalt  }
0x63: {  	_ =	shalt  }
0x64: {  	_ =	shalt  }
0x65: {  	_ =	shalt  }
0x66: {  	_ =	shalt  }
0x67: {  	_ =	shalt  }
0x68: {  	_ =	shalt  }
0x69: {  	_ =	shalt  }
0x6a: {  	_ =	shalt  }
0x6b: {  	_ =	shalt  }
0x6c: {  	_ =	shalt  }
0x6d: {  	_ =	shalt  }
0x6e: {  	_ =	shalt  }
0x6f: {  	_ =	shalt  }
0x70: {  	_ =	shalt  }
0x71: {  	_ =	shalt  }
0x72: {  	_ =	shalt  }
0x73: {  	_ =	shalt  }
0x74: {  	_ =	shalt  }
0x75: {  	_ =	shalt  }
0x76: {  	_ =	shalt  }
0x77: {  	_ =	shalt  }
0x78: {  	_ =	shalt  }
0x79: {  	_ =	shalt  }
0x7a: {  	_ =	shalt  }
0x7b: {  	_ =	shalt  }
0x7c: {  	_ =	shalt  }
0x7d: {  	_ =	shalt  }
0x7e: {  	_ =	shalt  }
0x7f: {  	_ =	shalt  }
0x80: {  	_ =	shalt  }
0x81: {  	_ =	shalt  }
0x82: {  	_ =	shalt  }
0x83: {  	_ =	shalt  }
0x84: {  	_ =	shalt  }
0x85: {  	_ =	shalt  }
0x86: {  	_ =	shalt  }
0x87: {  	_ =	shalt  }
.Lfunc_end0:
.L_simem_size_0:
called_computation.7_lowered:
.L_overlay_start_0:
0x88: {  	s2 =	sld [smem:$0x3FD9]  }
0x89: {  	s3 =	sld [smem:$0x3FFE];
	_ =	sdelay $0x1  }
0x8a: {  	s1 =	srdreg.scid  }
0x8b: {  	s0 =	sand.u32 $0x1, s1  }
0x8c: {  	s16 =	sshll.u32 s0, $0xA;
	s2 =	sadd.s32 s3, s2  }
0x8d: {  	s2 =	sadd.s32 s2, s16  }
0x8e: {  	[smem:$0x3FC6] =	sst s2  }
0x8f: {  	_ = 	snop  }
0x90: {  	(tm) =	ssettm $0x1  }
0x91: {  	s17 =	sld [smem:$0x3FFB];
	_ =	sdelay $0x3  }
0x92: {  	_ =	strace s17  }
0x93: {  	s2 =	sld [smem:$0x3FFC];
	_ =	sdelay $0x3  }
0x94: {  	_ =	strace s2  }
0x95: {  	s2 =	sld [smem:$0x3FFD];
	_ =	sdelay $0x3  }
0x96: {  	_ =	strace s2  }
0x97: {  	_ =	strace $0x8FFFFFFF  }
0x98: {  	s18 =	sld [smem:$0x3FDB];
	_ =	sdelay $0x1  }
0x99: {  	s19 =	simm.s32 $_scs_section_size  }
0x9a: {  	s4 =	simm.s32 $_size__tile_overlayer_lowered;
	s5 =	simm.s32 $_tile_overlayer_lowered  }
0x9b: {  	s22 =	simm.s32 $0x1BFF;
	s21 =	sshll.u32 s5, $0x1;
	s2 =	sadd.s32 s19, s18  }
0x9c: {  	s6 =	simm.s32 $0x0;
	s20 =	sshll.u32 s4, $0x1;
	s4 =	sadd.s32 s21, s2  }
0x9d: {  	[timem:s6], [sflag:s22] =	dma.local [hbm:s4], s20  }
0x9e: {  	_ =	swait.ge [sflag:s22], s20  }
0x9f: {  	s3 =	ssub.s32 $0x0, s20;
	[sflag:s22] =	ssyncset.done $0x0  }
0xa0: {  	[sflag:s22] =	ssyncadd.s32 s3;
	_ =	sdelay $0x1  }
0xa1: {  	s23 =	simm.s32 $0x1B8B  }
0xa2: {  	_ =	swait.ge [sflag:s23], $0x1  }
0xa3: {  	[sflag:s23] =	ssyncset.done $0x0  }
0xa4: {  	s25 =	simm.s32 $0x1B8E;
	s24 =	sld [smem:$0x3FFE];
	[sflag:s23] =	ssyncadd.s32 $0xFFFFFFFF  }
0xa5: {  	s26 =	simm.s32 $execute0_lowered;
	[smem:$0x3FD2] =	sst s25  }
0xa6: {  	s4 =	sshll.u32 s26, $0x1;
	_ =	strace $0x80000046;
	[dreg:$0x1] =	wrdreg $0xFFFFFFFF  }
0xa7: {  	s28 =	simm.s32 $_size_execute0_lowered;
	s2 =	sadd.s32 s2, s4;
	[dreg:$0x0] =	wrdreg $0x0  }
0xa8: {  	s4 =	sshll.u32 s28, $0x1;
	[dreg:$0x2] =	wrdreg s2  }
0xa9: {  	[dreg:$0x3] =	wrdreg s4  }
0xaa: {  	[dreg:$0x4] =	wrdreg $0xC0  }
0xab: {  	_ =	task [dreg:s6], $0x5FFFF  }
0xac: {  	[dreg:$0x1] =	wrdreg $0xFFFFFFFF  }
0xad: {  	[dreg:$0x0] =	wrdreg $0x60  }
0xae: {  	[dreg:$0x2] =	wrdreg s24  }
0xaf: {  	[dreg:$0x3] =	wrdreg $0x10  }
0xb0: {  	_ =	task.clear_ibuf [dreg:s6], $0x4FFFF;
	_ =	strace $0x90000046  }
0xb1: {  	s29 =	simm.s32 $0x10;
	_ =	strace $0x80000048  }
0xb2: {  	_ =	swait.ge [sflag:s29], $0x1  }
0xb3: {  	[sflag:s29] =	ssyncadd.s32 $0xFFFFFFFF  }
0xb4: {  	_ =	strace $0x90000048  }
0xb5: {  	_ =	sfence  }
0xb6: {  	s30 =	sld [smem:$0x0];
	_ =	sdelay $0x2  }
0xb7: {  	s31 =	sshll.u32 s1, $0xD;
	s1 =	sshrl.u32 s1, $0x2  }
0xb8: {  	s3 =	sand.u32 $0x4000, s31;
	s1 =	sadd.s32 s1, s30  }
0xb9: {  	s0 =	sor.u32 s3, s0;
	s1 =	sshll.u32 s1, $0x11  }
0xba: {  	s0 =	sor.u32 s1, s0  }
0xbb: {  	s0 =	sadd.s32 $0x8F2B, s0  }
0xbc: {  	[sflag:s0] =	ssyncadd.remote.s32 $0x1  }
0xbd: {  	_ =	sfence.sel $0xFFFF  }
0xbe: {  	[dreg:$0x0] =	wrdreg $0xFFFFFFFF;
	(pc) =	sbr.abs _section_cstart, $3  }
0xbf: {  	[dreg:$0x1] =	wrdreg $0xFFFFFFFF  }
0xc0: {  	_ =	task.clear_ibuf [dreg:s6], $0x2FFFF;
	_ =	strace $0x9FFFFFFF  }
0xc1: {  	(tm) =	ssettm $0x7FFFFFFF  }
tec
execute0_lowered:
.L_overlay_start_1:
0x0: {  	(tag) =	ssettag $0x1  }
0x1: {  	s1 =	srdreg.scid;
	s0 =	stileid.u32  }
0x2: {  	s6 =	sand.u32 $0x1, s1;
	s30 =	sshll.u32 s0, $0x1  }
0x3: {  	s8 =	rddreg [dreg:$0x0];
	s7 =	sor.u32 s6, s30  }
0x4: {  	s2 =	simm.s32 $0x0;
	s1 =	rddreg [dreg:$0x1];
	s3 =	smul.u32 $0x190, s7  }
0x5: {  	[smem:$0x7FF] =	sst s2;
	s5 =	sadd.s32 $0x2D200, s8  }
0x6: {  	_ =	strace $0x80000047;
	s10 =	ssub.s32 $0x2, s6;
	s3 =	sadd.s32 s3, s8  }
0x7: {  	s6 =	simm.s32 $0xC80;
	s4 =	sadd.s32 $0x2A000, s3;
	s3 =	simm.s32 $0x2  }
0x8: {  	[tilespmem:s2], [sflag:$0x2] =	stream.linear.gather [hbm4b:s4+s2], $0xC80, $0x38;
	[tilespmem:$0x19C80] =	vst v63  }
0x9: {  	s9 =	smul.u32 $0x3200, s7;
	s11 =	sshrl.u32 s10, $0x1;
	_ =	swait.ge [sflag:s3], $0xC80  }
0xa: {  	s7 =	simm.s32 $0x1;
	s31 =	ssub.s32 s10, s11;
	[sflag:s3] =	ssyncset.done $0x0  }
0xb: {  	s8 =	sadd.s32 s9, s8;
	s9 =	smax.u32 s31, $0x1;
	[sflag:s3] =	ssyncadd.s32 $0xFFFFF380  }
0xc: {  	[tilespmem:s6], [sflag:$0x1] =	stream.indirect.gather [hbm4b:s5+s6], $0x20, s2, s6, $0xb8;
	[tilespmem:$0x19C80] =	vst v63  }
0xd: {  	p0 =	sne.s32 s9, $0x1;
	_ =	swait.ge [sflag:s7], $0x19000  }
.Ltmp0:
0xe: {  	[sflag:s7] =	ssyncset.done $0x0;
	(pc) =	sbr.rel @!p0 .LBB2_2-.Ltmp0, $4  }
0xf: {  	s8 =	sadd.s32 $0x40D200, s8;
	[sflag:s7] =	ssyncadd.s32 $0xFFFE7000  }
0x10: {  	[hbm4b:s8+s2] =	stream.linear.scatter [tilespmem:s6], [sflag:$0x2], $0x19000, $0x38;
	[tilespmem:$0x19C80] =	vst v63  }
0x11: {  	_ =	swait.ge [sflag:s3], $0x19000  }
0x12: {  	s9 =	sadd.s32 $0xFFFFFFFF, s9;
	[sflag:s3] =	ssyncset.done $0x0  }
.LBB2_1:
0x13: {  	p0 =	sne.s32 s9, $0x1;
	s9 =	sadd.s32 $0xFFFFFFFF, s9;
	[sflag:s3] =	ssyncadd.s32 $0xFFFE7000  }
0x14: {  	[tilespmem:s2], [sflag:$0x2] =	stream.linear.gather [hbm4b:s4+s2], $0xC80, $0x38;
	[tilespmem:$0x19C80] =	vst v63  }
0x15: {  	_ =	swait.ge [sflag:s3], $0xC80  }
0x16: {  	[sflag:s3] =	ssyncset.done $0x0  }
0x17: {  	[sflag:s3] =	ssyncadd.s32 $0xFFFFF380  }
0x18: {  	[tilespmem:s6], [sflag:$0x1] =	stream.indirect.gather [hbm4b:s5+s6], $0x20, s2, s6, $0xb8;
	[tilespmem:$0x19C80] =	vst v63  }
0x19: {  	_ =	swait.ge [sflag:s7], $0x19000  }
.Ltmp1:
0x1a: {  	[sflag:s7] =	ssyncset.done $0x0;
	(pc) =	sbr.rel @p0 .LBB2_1-.Ltmp1, $4  }
0x1b: {  	[sflag:s7] =	ssyncadd.s32 $0xFFFE7000  }
0x1c: {  	[hbm4b:s8+s2] =	stream.linear.scatter [tilespmem:s6], [sflag:$0x2], $0x19000, $0x38;
	[tilespmem:$0x19C80] =	vst v63  }
0x1d: {  	_ =	swait.ge [sflag:s3], $0x19000  }
0x1e: {  	[sflag:s3] =	ssyncset.done $0x0  }
.LBB2_2:
0x1f: {  	[sflag:s3] =	ssyncadd.s32 $0xFFFE7000  }
0x20: {  	_ =	sfence.sel $0x180000  }
0x21: {  	[bflag:$0x0] =	sbarrier.arrive $0xFFFF  }
0x22: {  	p0 =	sne.s32 s0, $0x0;
	_ =	strace $0x90000047  }
0x23: {  	s0 =	sadd.s32 @!p0 $0x100000, s1;
	[bflag:$0x2] =	sbarrier.arrive $0xFFFF  }
0x24: {  	[sflag:s0] =	ssyncadd.tile.s32 @!p0 $0x1;
	_ =	shalt  }
.Lfunc_end2:
_tile_overlayer_lowered:
.L_overlay_start_2:
0x25: {  	(tag) =	ssettag $0x2  }
0x26: {  	s0 =	rddreg [dreg:$0x0];
	s2 =	stileid.u32  }
0x27: {  	s1 =	rddreg [dreg:$0x1];
	p0 =	sne.s32 s2, $0x0  }
0x28: {  	s3 =	rddreg [dreg:$0x2];
	[bflag:$0x3] =	sbarrier.arrive $0xFFFF;
	s2 =	simm.s32 @!p0 $0x1C02  }
0x29: {  	[timem:s3], [sflag:s2] =	dma.local @!p0 [hbm:s0], s1  }
0x2a: {  	s0 =	simm.s32 @!p0 $0x2  }
0x2b: {  	_ =	swait.ge @!p0 [sflag:s0], s1  }
0x2c: {  	s1 =	ssub.s32 @!p0 $0x0, s1;
	[sflag:s0] =	ssyncset.done @!p0 $0x0  }
0x2d: {  	[sflag:s0] =	ssyncadd.s32 @!p0 s1  }
0x2e: {  	[bflag:$0x3] =	sbarrier.arrive $0xFFFF  }
0x2f: {  	_ =	shalt  }

</sc_bundles>
